<compile_context>
chip_gen: v7x
topology: tpu7x:2x2x1
jax: 0.10.2.dev20260603
libtpu: 0.0.44.dev20260713+nightly
codegen_flags: <defaults>
</compile_context>

<pallas_src>
import jax
import jax.numpy as jnp
from jax import lax
from jax.experimental import pallas as pl
from jax.experimental.pallas import tpu as pltpu
from jax.experimental.pallas import tpu_sc as plsc

_NC = 2
_NS = 16
_NW = _NC * _NS


def kernel(token_indices, lookup):
    if token_indices.ndim == 1:
        token_indices = token_indices[None, :]
    B, S = token_indices.shape
    V, D = lookup.shape
    N = B * S
    assert N % _NW == 0
    b_per_w = N // _NW
    NBUF = 8
    C = S
    n_chunks = b_per_w // C
    assert n_chunks % NBUF == 0 and n_chunks >= NBUF

    idx = token_indices.reshape(N).astype(jnp.int32)
    mesh = plsc.VectorSubcoreMesh(core_axis_name="core", subcore_axis_name="subcore")

    @pl.kernel(
        out_type=jax.ShapeDtypeStruct((B, S, D), lookup.dtype),
        mesh=mesh,
        compiler_params=pltpu.CompilerParams(use_tc_tiling_on_sc=False),
        scratch_types=(
            [pltpu.VMEM((b_per_w,), jnp.int32),
             pltpu.VMEM((NBUF, C, D), lookup.dtype)]
            + [pltpu.SemaphoreType.DMA] * (1 + 2 * NBUF)
        ),
    )
    def gather_kernel(table_hbm, idx_hbm, out3_hbm, idx_v, rows_v, isem, *sems):
        gsem = sems[:NBUF]
        osem = sems[NBUF:]
        wid = lax.axis_index("subcore") * _NC + lax.axis_index("core")
        base = wid * b_per_w
        pltpu.async_copy(idx_hbm.at[pl.ds(base, b_per_w)], idx_v, isem).wait()

        def g_copy(g, b):
            return pltpu.make_async_copy(
                table_hbm.at[idx_v.at[pl.ds(g * C, C)]], rows_v.at[b], gsem[b])

        def o_copy(g, b):
            return pltpu.make_async_copy(
                rows_v.at[b], out3_hbm.at[(base + g * C) // S], osem[b])

        for b in range(NBUF):
            g_copy(b, b).start()

        @pl.loop(0, n_chunks, step=NBUF)
        def _(gi):
            for b in range(NBUF):
                g = gi + b
                g_copy(g, b).wait()
                o_copy(g, b).start()
                nxt = g + NBUF

                @pl.when(nxt < n_chunks)
                def _():
                    o_copy(g, b).wait()
                    g_copy(nxt, b).start()

        for b in range(NBUF):
            o_copy(n_chunks - NBUF + b, b).wait()

    return gather_kernel(lookup, idx)

# --- scband reference (transcript-rebuilt; emitter-appended) ---
"""Pipeline reference for scband-embedding-lookup-33440615367400 (READ-ONLY COPY).

The authoritative reference and input builder live on the scoring server;
editing this copy changes nothing except your own understanding.
"""

import jax, jax.numpy as jnp
import numpy as np

D_V = 1000000
D_M = 32

def setup_inputs(seed: int = 0) -> dict:
    key = jax.random.key(seed)
    k_idx, k_tab = jax.random.split(key)
    token_indices = jax.random.randint(k_idx, (4096, 200), 0, D_V, dtype=jnp.int64 if jax.config.jax_enable_x64 else jnp.int32)
    lookup = jax.random.normal(k_tab, (D_V, D_M), dtype=jnp.float32) * 0.02
    return {"token_indices": token_indices, "lookup": lookup}

def reference(token_indices, lookup):
    # Faithful to torch: indices already 2-D, so just gather rows.
    if token_indices.ndim == 1:
        token_indices = token_indices[None, :]
    return jnp.take(lookup, token_indices, axis=0)

if __name__ == "__main__":
    import jax
    _d = setup_inputs()
    print(jax.jit(kernel)(*tuple(_d.values())))

</pallas_src>

<mosaic_0001>
#map = affine_map<(d0, d1) -> (0, 0)>
#map1 = affine_map<(d0, d1) -> (0)>
#map2 = affine_map<(d0, d1) -> (0, 0, 0)>
module attributes {stable_mosaic.version = 14 : i64} {
  func.func @gather_kernel(%arg0: i32, %arg1: i32, %arg2: memref<1000000x32xf32, #tpu.memory_space<hbm>>, %arg3: memref<819200xi32, #tpu.memory_space<hbm>>, %arg4: memref<4096x200x32xf32, #tpu.memory_space<hbm>>, %arg5: memref<25600xi32, #tpu.memory_space<vmem>>, %arg6: memref<8x200x32xf32, #tpu.memory_space<vmem>>, %arg7: memref<!tpu.dma_semaphore, #tpu.memory_space<semaphore_mem>>, %arg8: memref<!tpu.dma_semaphore, #tpu.memory_space<semaphore_mem>>, %arg9: memref<!tpu.dma_semaphore, #tpu.memory_space<semaphore_mem>>, %arg10: memref<!tpu.dma_semaphore, #tpu.memory_space<semaphore_mem>>, %arg11: memref<!tpu.dma_semaphore, #tpu.memory_space<semaphore_mem>>, %arg12: memref<!tpu.dma_semaphore, #tpu.memory_space<semaphore_mem>>, %arg13: memref<!tpu.dma_semaphore, #tpu.memory_space<semaphore_mem>>, %arg14: memref<!tpu.dma_semaphore, #tpu.memory_space<semaphore_mem>>, %arg15: memref<!tpu.dma_semaphore, #tpu.memory_space<semaphore_mem>>, %arg16: memref<!tpu.dma_semaphore, #tpu.memory_space<semaphore_mem>>, %arg17: memref<!tpu.dma_semaphore, #tpu.memory_space<semaphore_mem>>, %arg18: memref<!tpu.dma_semaphore, #tpu.memory_space<semaphore_mem>>, %arg19: memref<!tpu.dma_semaphore, #tpu.memory_space<semaphore_mem>>, %arg20: memref<!tpu.dma_semaphore, #tpu.memory_space<semaphore_mem>>, %arg21: memref<!tpu.dma_semaphore, #tpu.memory_space<semaphore_mem>>, %arg22: memref<!tpu.dma_semaphore, #tpu.memory_space<semaphore_mem>>, %arg23: memref<!tpu.dma_semaphore, #tpu.memory_space<semaphore_mem>>) attributes {dimension_semantics = [#tpu.dimension_semantics<core_parallel>, #tpu.dimension_semantics<subcore_parallel>], iteration_bounds = array<i64: 2, 16>, scalar_prefetch = 0 : i64, scratch_operands = 19 : i64, tpu.core_type = #tpu.core_type<sc_vector_subcore>, window_params = [{transform_indices = #map}, {transform_indices = #map1}, {transform_indices = #map2}]} {
    %mul3A = arith.constant 2 : i32
    %mul3A_0 = arith.muli %arg1, %mul3A : i32
    %add3A = arith.addi %mul3A_0, %arg0 : i32
    %mul3A_1 = arith.constant 25600 : i32
    %mul3A_2 = arith.muli %add3A, %mul3A_1 : i32
    %dma_start3A = tpu.memref_slice %arg3[%mul3A_2] : memref<819200xi32, #tpu.memory_space<hbm>> -> memref<25600xi32, #tpu.memory_space<hbm>>
    %dma_start3A_3 = tpu.memref_slice %arg3[%mul3A_2] : memref<819200xi32, #tpu.memory_space<hbm>> -> memref<25600xi32, #tpu.memory_space<hbm>>
    tpu.enqueue_dma source(%dma_start3A_3 : memref<25600xi32, #tpu.memory_space<hbm>>) target(%arg5 : memref<25600xi32, #tpu.memory_space<vmem>>) target_semaphore(%arg7 : memref<!tpu.dma_semaphore, #tpu.memory_space<semaphore_mem>>)
    %dma_wait3A = tpu.memref_slice %arg3[%mul3A_2] : memref<819200xi32, #tpu.memory_space<hbm>> -> memref<25600xi32, #tpu.memory_space<hbm>>
    %dma_wait3A_4 = tpu.memref_slice %arg3[%mul3A_2] : memref<819200xi32, #tpu.memory_space<hbm>> -> memref<25600xi32, #tpu.memory_space<hbm>>
    tpu.wait_dma2 semaphore(%arg7 : memref<!tpu.dma_semaphore, #tpu.memory_space<semaphore_mem>>) src(%dma_wait3A_4 : memref<25600xi32, #tpu.memory_space<hbm>>) dst(%arg5 : memref<25600xi32, #tpu.memory_space<vmem>>)
    %dma_start3A_5 = arith.constant 0 : i32
    %dma_start3A_6 = arith.constant 0 : i32
    %dma_start3A_7 = arith.constant 0 : i32
    %dma_start3A_8 = tpu.memref_slice %arg6[%dma_start3A_5, %dma_start3A_6, %dma_start3A_7] : memref<8x200x32xf32, #tpu.memory_space<vmem>> -> memref<1x200x32xf32, #tpu.memory_space<vmem>>
    %dma_start3A_9 = tpu.memref_squeeze %dma_start3A_8 : memref<1x200x32xf32, #tpu.memory_space<vmem>> -> memref<200x32xf32, #tpu.memory_space<vmem>>
    %dma_start3A_10 = arith.constant 0 : i32
    %dma_start3A_11 = tpu.memref_slice %arg5[%dma_start3A_10] : memref<25600xi32, #tpu.memory_space<vmem>> -> memref<200xi32, #tpu.memory_space<vmem>>
    %dma_start3A_12 = arith.constant 0 : i32
    %dma_start3A_13 = arith.constant 0 : i32
    %dma_start3A_14 = tpu.memref_slice %arg2[%dma_start3A_12, %dma_start3A_13] : memref<1000000x32xf32, #tpu.memory_space<hbm>> -> memref<1000000x32xf32, #tpu.memory_space<hbm>>
    tpu.enqueue_indirect_dma source(%dma_start3A_14 : memref<1000000x32xf32, #tpu.memory_space<hbm>>) target(%dma_start3A_9 : memref<200x32xf32, #tpu.memory_space<vmem>>) offsets(%dma_start3A_11 : memref<200xi32, #tpu.memory_space<vmem>>) semaphore(%arg8 : memref<!tpu.dma_semaphore, #tpu.memory_space<semaphore_mem>>)
    %dma_start3A_15 = arith.constant 1 : i32
    %dma_start3A_16 = arith.constant 0 : i32
    %dma_start3A_17 = arith.constant 0 : i32
    %dma_start3A_18 = tpu.memref_slice %arg6[%dma_start3A_15, %dma_start3A_16, %dma_start3A_17] : memref<8x200x32xf32, #tpu.memory_space<vmem>> -> memref<1x200x32xf32, #tpu.memory_space<vmem>>
    %dma_start3A_19 = tpu.memref_squeeze %dma_start3A_18 : memref<1x200x32xf32, #tpu.memory_space<vmem>> -> memref<200x32xf32, #tpu.memory_space<vmem>>
    %dma_start3A_20 = arith.constant 200 : i32
    %dma_start3A_21 = tpu.memref_slice %arg5[%dma_start3A_20] : memref<25600xi32, #tpu.memory_space<vmem>> -> memref<200xi32, #tpu.memory_space<vmem>>
    %dma_start3A_22 = arith.constant 0 : i32
    %dma_start3A_23 = arith.constant 0 : i32
    %dma_start3A_24 = tpu.memref_slice %arg2[%dma_start3A_22, %dma_start3A_23] : memref<1000000x32xf32, #tpu.memory_space<hbm>> -> memref<1000000x32xf32, #tpu.memory_space<hbm>>
    tpu.enqueue_indirect_dma source(%dma_start3A_24 : memref<1000000x32xf32, #tpu.memory_space<hbm>>) target(%dma_start3A_19 : memref<200x32xf32, #tpu.memory_space<vmem>>) offsets(%dma_start3A_21 : memref<200xi32, #tpu.memory_space<vmem>>) semaphore(%arg9 : memref<!tpu.dma_semaphore, #tpu.memory_space<semaphore_mem>>)
    %dma_start3A_25 = arith.constant 2 : i32
    %dma_start3A_26 = arith.constant 0 : i32
    %dma_start3A_27 = arith.constant 0 : i32
    %dma_start3A_28 = tpu.memref_slice %arg6[%dma_start3A_25, %dma_start3A_26, %dma_start3A_27] : memref<8x200x32xf32, #tpu.memory_space<vmem>> -> memref<1x200x32xf32, #tpu.memory_space<vmem>>
    %dma_start3A_29 = tpu.memref_squeeze %dma_start3A_28 : memref<1x200x32xf32, #tpu.memory_space<vmem>> -> memref<200x32xf32, #tpu.memory_space<vmem>>
    %dma_start3A_30 = arith.constant 400 : i32
    %dma_start3A_31 = tpu.memref_slice %arg5[%dma_start3A_30] : memref<25600xi32, #tpu.memory_space<vmem>> -> memref<200xi32, #tpu.memory_space<vmem>>
    %dma_start3A_32 = arith.constant 0 : i32
    %dma_start3A_33 = arith.constant 0 : i32
    %dma_start3A_34 = tpu.memref_slice %arg2[%dma_start3A_32, %dma_start3A_33] : memref<1000000x32xf32, #tpu.memory_space<hbm>> -> memref<1000000x32xf32, #tpu.memory_space<hbm>>
    tpu.enqueue_indirect_dma source(%dma_start3A_34 : memref<1000000x32xf32, #tpu.memory_space<hbm>>) target(%dma_start3A_29 : memref<200x32xf32, #tpu.memory_space<vmem>>) offsets(%dma_start3A_31 : memref<200xi32, #tpu.memory_space<vmem>>) semaphore(%arg10 : memref<!tpu.dma_semaphore, #tpu.memory_space<semaphore_mem>>)
    %dma_start3A_35 = arith.constant 3 : i32
    %dma_start3A_36 = arith.constant 0 : i32
    %dma_start3A_37 = arith.constant 0 : i32
    %dma_start3A_38 = tpu.memref_slice %arg6[%dma_start3A_35, %dma_start3A_36, %dma_start3A_37] : memref<8x200x32xf32, #tpu.memory_space<vmem>> -> memref<1x200x32xf32, #tpu.memory_space<vmem>>
    %dma_start3A_39 = tpu.memref_squeeze %dma_start3A_38 : memref<1x200x32xf32, #tpu.memory_space<vmem>> -> memref<200x32xf32, #tpu.memory_space<vmem>>
    %dma_start3A_40 = arith.constant 600 : i32
    %dma_start3A_41 = tpu.memref_slice %arg5[%dma_start3A_40] : memref<25600xi32, #tpu.memory_space<vmem>> -> memref<200xi32, #tpu.memory_space<vmem>>
    %dma_start3A_42 = arith.constant 0 : i32
    %dma_start3A_43 = arith.constant 0 : i32
    %dma_start3A_44 = tpu.memref_slice %arg2[%dma_start3A_42, %dma_start3A_43] : memref<1000000x32xf32, #tpu.memory_space<hbm>> -> memref<1000000x32xf32, #tpu.memory_space<hbm>>
    tpu.enqueue_indirect_dma source(%dma_start3A_44 : memref<1000000x32xf32, #tpu.memory_space<hbm>>) target(%dma_start3A_39 : memref<200x32xf32, #tpu.memory_space<vmem>>) offsets(%dma_start3A_41 : memref<200xi32, #tpu.memory_space<vmem>>) semaphore(%arg11 : memref<!tpu.dma_semaphore, #tpu.memory_space<semaphore_mem>>)
    %dma_start3A_45 = arith.constant 4 : i32
    %dma_start3A_46 = arith.constant 0 : i32
    %dma_start3A_47 = arith.constant 0 : i32
    %dma_start3A_48 = tpu.memref_slice %arg6[%dma_start3A_45, %dma_start3A_46, %dma_start3A_47] : memref<8x200x32xf32, #tpu.memory_space<vmem>> -> memref<1x200x32xf32, #tpu.memory_space<vmem>>
    %dma_start3A_49 = tpu.memref_squeeze %dma_start3A_48 : memref<1x200x32xf32, #tpu.memory_space<vmem>> -> memref<200x32xf32, #tpu.memory_space<vmem>>
    %dma_start3A_50 = arith.constant 800 : i32
    %dma_start3A_51 = tpu.memref_slice %arg5[%dma_start3A_50] : memref<25600xi32, #tpu.memory_space<vmem>> -> memref<200xi32, #tpu.memory_space<vmem>>
    %dma_start3A_52 = arith.constant 0 : i32
    %dma_start3A_53 = arith.constant 0 : i32
    %dma_start3A_54 = tpu.memref_slice %arg2[%dma_start3A_52, %dma_start3A_53] : memref<1000000x32xf32, #tpu.memory_space<hbm>> -> memref<1000000x32xf32, #tpu.memory_space<hbm>>
    tpu.enqueue_indirect_dma source(%dma_start3A_54 : memref<1000000x32xf32, #tpu.memory_space<hbm>>) target(%dma_start3A_49 : memref<200x32xf32, #tpu.memory_space<vmem>>) offsets(%dma_start3A_51 : memref<200xi32, #tpu.memory_space<vmem>>) semaphore(%arg12 : memref<!tpu.dma_semaphore, #tpu.memory_space<semaphore_mem>>)
    %dma_start3A_55 = arith.constant 5 : i32
    %dma_start3A_56 = arith.constant 0 : i32
    %dma_start3A_57 = arith.constant 0 : i32
    %dma_start3A_58 = tpu.memref_slice %arg6[%dma_start3A_55, %dma_start3A_56, %dma_start3A_57] : memref<8x200x32xf32, #tpu.memory_space<vmem>> -> memref<1x200x32xf32, #tpu.memory_space<vmem>>
    %dma_start3A_59 = tpu.memref_squeeze %dma_start3A_58 : memref<1x200x32xf32, #tpu.memory_space<vmem>> -> memref<200x32xf32, #tpu.memory_space<vmem>>
    %dma_start3A_60 = arith.constant 1000 : i32
    %dma_start3A_61 = tpu.memref_slice %arg5[%dma_start3A_60] : memref<25600xi32, #tpu.memory_space<vmem>> -> memref<200xi32, #tpu.memory_space<vmem>>
    %dma_start3A_62 = arith.constant 0 : i32
    %dma_start3A_63 = arith.constant 0 : i32
    %dma_start3A_64 = tpu.memref_slice %arg2[%dma_start3A_62, %dma_start3A_63] : memref<1000000x32xf32, #tpu.memory_space<hbm>> -> memref<1000000x32xf32, #tpu.memory_space<hbm>>
    tpu.enqueue_indirect_dma source(%dma_start3A_64 : memref<1000000x32xf32, #tpu.memory_space<hbm>>) target(%dma_start3A_59 : memref<200x32xf32, #tpu.memory_space<vmem>>) offsets(%dma_start3A_61 : memref<200xi32, #tpu.memory_space<vmem>>) semaphore(%arg13 : memref<!tpu.dma_semaphore, #tpu.memory_space<semaphore_mem>>)
    %dma_start3A_65 = arith.constant 6 : i32
    %dma_start3A_66 = arith.constant 0 : i32
    %dma_start3A_67 = arith.constant 0 : i32
    %dma_start3A_68 = tpu.memref_slice %arg6[%dma_start3A_65, %dma_start3A_66, %dma_start3A_67] : memref<8x200x32xf32, #tpu.memory_space<vmem>> -> memref<1x200x32xf32, #tpu.memory_space<vmem>>
    %dma_start3A_69 = tpu.memref_squeeze %dma_start3A_68 : memref<1x200x32xf32, #tpu.memory_space<vmem>> -> memref<200x32xf32, #tpu.memory_space<vmem>>
    %dma_start3A_70 = arith.constant 1200 : i32
    %dma_start3A_71 = tpu.memref_slice %arg5[%dma_start3A_70] : memref<25600xi32, #tpu.memory_space<vmem>> -> memref<200xi32, #tpu.memory_space<vmem>>
    %dma_start3A_72 = arith.constant 0 : i32
    %dma_start3A_73 = arith.constant 0 : i32
    %dma_start3A_74 = tpu.memref_slice %arg2[%dma_start3A_72, %dma_start3A_73] : memref<1000000x32xf32, #tpu.memory_space<hbm>> -> memref<1000000x32xf32, #tpu.memory_space<hbm>>
    tpu.enqueue_indirect_dma source(%dma_start3A_74 : memref<1000000x32xf32, #tpu.memory_space<hbm>>) target(%dma_start3A_69 : memref<200x32xf32, #tpu.memory_space<vmem>>) offsets(%dma_start3A_71 : memref<200xi32, #tpu.memory_space<vmem>>) semaphore(%arg14 : memref<!tpu.dma_semaphore, #tpu.memory_space<semaphore_mem>>)
    %dma_start3A_75 = arith.constant 7 : i32
    %dma_start3A_76 = arith.constant 0 : i32
    %dma_start3A_77 = arith.constant 0 : i32
    %dma_start3A_78 = tpu.memref_slice %arg6[%dma_start3A_75, %dma_start3A_76, %dma_start3A_77] : memref<8x200x32xf32, #tpu.memory_space<vmem>> -> memref<1x200x32xf32, #tpu.memory_space<vmem>>
    %dma_start3A_79 = tpu.memref_squeeze %dma_start3A_78 : memref<1x200x32xf32, #tpu.memory_space<vmem>> -> memref<200x32xf32, #tpu.memory_space<vmem>>
    %dma_start3A_80 = arith.constant 1400 : i32
    %dma_start3A_81 = tpu.memref_slice %arg5[%dma_start3A_80] : memref<25600xi32, #tpu.memory_space<vmem>> -> memref<200xi32, #tpu.memory_space<vmem>>
    %dma_start3A_82 = arith.constant 0 : i32
    %dma_start3A_83 = arith.constant 0 : i32
    %dma_start3A_84 = tpu.memref_slice %arg2[%dma_start3A_82, %dma_start3A_83] : memref<1000000x32xf32, #tpu.memory_space<hbm>> -> memref<1000000x32xf32, #tpu.memory_space<hbm>>
    tpu.enqueue_indirect_dma source(%dma_start3A_84 : memref<1000000x32xf32, #tpu.memory_space<hbm>>) target(%dma_start3A_79 : memref<200x32xf32, #tpu.memory_space<vmem>>) offsets(%dma_start3A_81 : memref<200xi32, #tpu.memory_space<vmem>>) semaphore(%arg15 : memref<!tpu.dma_semaphore, #tpu.memory_space<semaphore_mem>>)
    %scan3A = arith.constant 0 : i32
    %scan3A_85 = arith.constant 16 : i32
    %scan3A_86 = arith.addi %scan3A, %scan3A_85 : i32
    %scan3A_87 = arith.constant 1 : i32
    scf.for %scan3A_425 = %scan3A to %scan3A_86 step %scan3A_87  : i32 {
      %mul3A_426 = arith.constant 8 : i32
      %mul3A_427 = arith.muli %scan3A_425, %mul3A_426 : i32
      %add3A_428 = arith.constant 0 : i32
      %add3A_429 = arith.addi %add3A_428, %mul3A_427 : i32
      %add3A_430 = arith.constant 0 : i32
      %add3A_431 = arith.addi %add3A_429, %add3A_430 : i32
      %mul3A_432 = arith.constant 200 : i32
      %mul3A_433 = arith.muli %add3A_431, %mul3A_432 : i32
      %dma_wait3A_434 = arith.constant 0 : i32
      %dma_wait3A_435 = arith.constant 0 : i32
      %dma_wait3A_436 = arith.constant 0 : i32
      %dma_wait3A_437 = tpu.memref_slice %arg6[%dma_wait3A_434, %dma_wait3A_435, %dma_wait3A_436] : memref<8x200x32xf32, #tpu.memory_space<vmem>> -> memref<1x200x32xf32, #tpu.memory_space<vmem>>
      %dma_wait3A_438 = tpu.memref_squeeze %dma_wait3A_437 : memref<1x200x32xf32, #tpu.memory_space<vmem>> -> memref<200x32xf32, #tpu.memory_space<vmem>>
      %dma_wait3A_439 = tpu.memref_slice %arg5[%mul3A_433] : memref<25600xi32, #tpu.memory_space<vmem>> -> memref<200xi32, #tpu.memory_space<vmem>>
      %dma_wait3A_440 = arith.constant 0 : i32
      %dma_wait3A_441 = arith.constant 0 : i32
      %dma_wait3A_442 = tpu.memref_slice %arg2[%dma_wait3A_440, %dma_wait3A_441] : memref<1000000x32xf32, #tpu.memory_space<hbm>> -> memref<1000000x32xf32, #tpu.memory_space<hbm>>
      tpu.wait_indirect_dma semaphore(%arg8 : memref<!tpu.dma_semaphore, #tpu.memory_space<semaphore_mem>>) src(%dma_wait3A_442 : memref<1000000x32xf32, #tpu.memory_space<hbm>>) dst(%dma_wait3A_438 : memref<200x32xf32, #tpu.memory_space<vmem>>)
      %mul3A_443 = arith.constant 200 : i32
      %mul3A_444 = arith.muli %add3A_431, %mul3A_443 : i32
      %add3A_445 = arith.addi %mul3A_2, %mul3A_444 : i32
      %jit3A_446 = arith.constant 200 : i32
      %div3A_447 = arith.divsi %add3A_445, %jit3A_446 : i32
      %sign3A_448 = arith.constant 0 : i32
      %sign3A_449 = arith.cmpi sgt, %add3A_445, %sign3A_448 : i32
      %sign3A_450 = arith.extui %sign3A_449 : i1 to i32
      %sign3A_451 = arith.constant 0 : i32
      %sign3A_452 = arith.cmpi slt, %add3A_445, %sign3A_451 : i32
      %sign3A_453 = arith.extui %sign3A_452 : i1 to i32
      %sign3A_454 = arith.subi %sign3A_450, %sign3A_453 : i32
      %sign3A_455 = arith.constant 0 : i32
      %sign3A_456 = arith.cmpi sgt, %jit3A_446, %sign3A_455 : i32
      %sign3A_457 = arith.extui %sign3A_456 : i1 to i32
      %sign3A_458 = arith.constant 0 : i32
      %sign3A_459 = arith.cmpi slt, %jit3A_446, %sign3A_458 : i32
      %sign3A_460 = arith.extui %sign3A_459 : i1 to i32
      %sign3A_461 = arith.subi %sign3A_457, %sign3A_460 : i32
      %ne3A_462 = arith.cmpi ne, %sign3A_454, %sign3A_461 : i32
      %rem3A_463 = arith.remsi %add3A_445, %jit3A_446 : i32
      %ne3A_464 = arith.constant 0 : i32
      %ne3A_465 = arith.cmpi ne, %rem3A_463, %ne3A_464 : i32
      %and3A_466 = arith.andi %ne3A_462, %ne3A_465 : i1
      %sub3A_467 = arith.constant 1 : i32
      %sub3A_468 = arith.subi %div3A_447, %sub3A_467 : i32
      %select_n3A_469 = arith.select %and3A_466, %sub3A_468, %div3A_447 : i32
      %dma_start3A_470 = arith.constant 0 : i32
      %dma_start3A_471 = arith.constant 0 : i32
      %dma_start3A_472 = arith.constant 0 : i32
      %dma_start3A_473 = tpu.memref_slice %arg6[%dma_start3A_470, %dma_start3A_471, %dma_start3A_472] : memref<8x200x32xf32, #tpu.memory_space<vmem>> -> memref<1x200x32xf32, #tpu.memory_space<vmem>>
      %dma_start3A_474 = tpu.memref_squeeze %dma_start3A_473 : memref<1x200x32xf32, #tpu.memory_space<vmem>> -> memref<200x32xf32, #tpu.memory_space<vmem>>
      %dma_start3A_475 = arith.constant 0 : i32
      %dma_start3A_476 = arith.constant 0 : i32
      %dma_start3A_477 = tpu.memref_slice %arg4[%select_n3A_469, %dma_start3A_475, %dma_start3A_476] : memref<4096x200x32xf32, #tpu.memory_space<hbm>> -> memref<1x200x32xf32, #tpu.memory_space<hbm>>
      %dma_start3A_478 = tpu.memref_squeeze %dma_start3A_477 : memref<1x200x32xf32, #tpu.memory_space<hbm>> -> memref<200x32xf32, #tpu.memory_space<hbm>>
      %dma_start3A_479 = arith.constant 0 : i32
      %dma_start3A_480 = arith.constant 0 : i32
      %dma_start3A_481 = tpu.memref_slice %arg4[%select_n3A_469, %dma_start3A_479, %dma_start3A_480] : memref<4096x200x32xf32, #tpu.memory_space<hbm>> -> memref<1x200x32xf32, #tpu.memory_space<hbm>>
      %dma_start3A_482 = tpu.memref_squeeze %dma_start3A_481 : memref<1x200x32xf32, #tpu.memory_space<hbm>> -> memref<200x32xf32, #tpu.memory_space<hbm>>
      %dma_start3A_483 = arith.constant 0 : i32
      %dma_start3A_484 = arith.constant 0 : i32
      %dma_start3A_485 = tpu.memref_slice %arg6[%dma_start3A_470, %dma_start3A_483, %dma_start3A_484] : memref<8x200x32xf32, #tpu.memory_space<vmem>> -> memref<1x200x32xf32, #tpu.memory_space<vmem>>
      %dma_start3A_486 = tpu.memref_squeeze %dma_start3A_485 : memref<1x200x32xf32, #tpu.memory_space<vmem>> -> memref<200x32xf32, #tpu.memory_space<vmem>>
      tpu.enqueue_dma source(%dma_start3A_486 : memref<200x32xf32, #tpu.memory_space<vmem>>) target(%dma_start3A_482 : memref<200x32xf32, #tpu.memory_space<hbm>>) target_semaphore(%arg16 : memref<!tpu.dma_semaphore, #tpu.memory_space<semaphore_mem>>)
      %add3A_487 = arith.constant 8 : i32
      %add3A_488 = arith.addi %add3A_431, %add3A_487 : i32
      %lt3A = arith.constant 128 : i32
      %lt3A_489 = arith.cmpi slt, %add3A_488, %lt3A : i32
      %convert_element_type3A = arith.extui %lt3A_489 : i1 to i32
      %cond3A = arith.constant 0 : i32
      %cond3A_490 = arith.cmpi ne, %convert_element_type3A, %cond3A : i32
      scf.if %cond3A_490 {
        %mul3A_939 = arith.constant 200 : i32
        %mul3A_940 = arith.muli %add3A_431, %mul3A_939 : i32
        %add3A_941 = arith.addi %mul3A_2, %mul3A_940 : i32
        %jit3A_942 = arith.constant 200 : i32
        %div3A_943 = arith.divsi %add3A_941, %jit3A_942 : i32
        %sign3A_944 = arith.constant 0 : i32
        %sign3A_945 = arith.cmpi sgt, %add3A_941, %sign3A_944 : i32
        %sign3A_946 = arith.extui %sign3A_945 : i1 to i32
        %sign3A_947 = arith.constant 0 : i32
        %sign3A_948 = arith.cmpi slt, %add3A_941, %sign3A_947 : i32
        %sign3A_949 = arith.extui %sign3A_948 : i1 to i32
        %sign3A_950 = arith.subi %sign3A_946, %sign3A_949 : i32
        %sign3A_951 = arith.constant 0 : i32
        %sign3A_952 = arith.cmpi sgt, %jit3A_942, %sign3A_951 : i32
        %sign3A_953 = arith.extui %sign3A_952 : i1 to i32
        %sign3A_954 = arith.constant 0 : i32
        %sign3A_955 = arith.cmpi slt, %jit3A_942, %sign3A_954 : i32
        %sign3A_956 = arith.extui %sign3A_955 : i1 to i32
        %sign3A_957 = arith.subi %sign3A_953, %sign3A_956 : i32
        %ne3A_958 = arith.cmpi ne, %sign3A_950, %sign3A_957 : i32
        %rem3A_959 = arith.remsi %add3A_941, %jit3A_942 : i32
        %ne3A_960 = arith.constant 0 : i32
        %ne3A_961 = arith.cmpi ne, %rem3A_959, %ne3A_960 : i32
        %and3A_962 = arith.andi %ne3A_958, %ne3A_961 : i1
        %sub3A_963 = arith.constant 1 : i32
        %sub3A_964 = arith.subi %div3A_943, %sub3A_963 : i32
        %select_n3A_965 = arith.select %and3A_962, %sub3A_964, %div3A_943 : i32
        %dma_wait3A_966 = arith.constant 0 : i32
        %dma_wait3A_967 = arith.constant 0 : i32
        %dma_wait3A_968 = arith.constant 0 : i32
        %dma_wait3A_969 = tpu.memref_slice %arg6[%dma_wait3A_966, %dma_wait3A_967, %dma_wait3A_968] : memref<8x200x32xf32, #tpu.memory_space<vmem>> -> memref<1x200x32xf32, #tpu.memory_space<vmem>>
        %dma_wait3A_970 = tpu.memref_squeeze %dma_wait3A_969 : memref<1x200x32xf32, #tpu.memory_space<vmem>> -> memref<200x32xf32, #tpu.memory_space<vmem>>
        %dma_wait3A_971 = arith.constant 0 : i32
        %dma_wait3A_972 = arith.constant 0 : i32
        %dma_wait3A_973 = tpu.memref_slice %arg4[%select_n3A_965, %dma_wait3A_971, %dma_wait3A_972] : memref<4096x200x32xf32, #tpu.memory_space<hbm>> -> memref<1x200x32xf32, #tpu.memory_space<hbm>>
        %dma_wait3A_974 = tpu.memref_squeeze %dma_wait3A_973 : memref<1x200x32xf32, #tpu.memory_space<hbm>> -> memref<200x32xf32, #tpu.memory_space<hbm>>
        %dma_wait3A_975 = arith.constant 0 : i32
        %dma_wait3A_976 = arith.constant 0 : i32
        %dma_wait3A_977 = tpu.memref_slice %arg4[%select_n3A_965, %dma_wait3A_975, %dma_wait3A_976] : memref<4096x200x32xf32, #tpu.memory_space<hbm>> -> memref<1x200x32xf32, #tpu.memory_space<hbm>>
        %dma_wait3A_978 = tpu.memref_squeeze %dma_wait3A_977 : memref<1x200x32xf32, #tpu.memory_space<hbm>> -> memref<200x32xf32, #tpu.memory_space<hbm>>
        %dma_wait3A_979 = arith.constant 0 : i32
        %dma_wait3A_980 = arith.constant 0 : i32
        %dma_wait3A_981 = tpu.memref_slice %arg6[%dma_wait3A_966, %dma_wait3A_979, %dma_wait3A_980] : memref<8x200x32xf32, #tpu.memory_space<vmem>> -> memref<1x200x32xf32, #tpu.memory_space<vmem>>
        %dma_wait3A_982 = tpu.memref_squeeze %dma_wait3A_981 : memref<1x200x32xf32, #tpu.memory_space<vmem>> -> memref<200x32xf32, #tpu.memory_space<vmem>>
        tpu.wait_dma2 semaphore(%arg16 : memref<!tpu.dma_semaphore, #tpu.memory_space<semaphore_mem>>) src(%dma_wait3A_982 : memref<200x32xf32, #tpu.memory_space<vmem>>) dst(%dma_wait3A_978 : memref<200x32xf32, #tpu.memory_space<hbm>>)
        %mul3A_983 = arith.constant 200 : i32
        %mul3A_984 = arith.muli %add3A_488, %mul3A_983 : i32
        %dma_start3A_985 = arith.constant 0 : i32
        %dma_start3A_986 = arith.constant 0 : i32
        %dma_start3A_987 = arith.constant 0 : i32
        %dma_start3A_988 = tpu.memref_slice %arg6[%dma_start3A_985, %dma_start3A_986, %dma_start3A_987] : memref<8x200x32xf32, #tpu.memory_space<vmem>> -> memref<1x200x32xf32, #tpu.memory_space<vmem>>
        %dma_start3A_989 = tpu.memref_squeeze %dma_start3A_988 : memref<1x200x32xf32, #tpu.memory_space<vmem>> -> memref<200x32xf32, #tpu.memory_space<vmem>>
        %dma_start3A_990 = tpu.memref_slice %arg5[%mul3A_984] : memref<25600xi32, #tpu.memory_space<vmem>> -> memref<200xi32, #tpu.memory_space<vmem>>
        %dma_start3A_991 = arith.constant 0 : i32
        %dma_start3A_992 = arith.constant 0 : i32
        %dma_start3A_993 = tpu.memref_slice %arg2[%dma_start3A_991, %dma_start3A_992] : memref<1000000x32xf32, #tpu.memory_space<hbm>> -> memref<1000000x32xf32, #tpu.memory_space<hbm>>
        tpu.enqueue_indirect_dma source(%dma_start3A_993 : memref<1000000x32xf32, #tpu.memory_space<hbm>>) target(%dma_start3A_989 : memref<200x32xf32, #tpu.memory_space<vmem>>) offsets(%dma_start3A_990 : memref<200xi32, #tpu.memory_space<vmem>>) semaphore(%arg8 : memref<!tpu.dma_semaphore, #tpu.memory_space<semaphore_mem>>)
      } else {
      }
      %add3A_491 = arith.constant 1 : i32
      %add3A_492 = arith.addi %add3A_429, %add3A_491 : i32
      %mul3A_493 = arith.constant 200 : i32
      %mul3A_494 = arith.muli %add3A_492, %mul3A_493 : i32
      %dma_wait3A_495 = arith.constant 1 : i32
      %dma_wait3A_496 = arith.constant 0 : i32
      %dma_wait3A_497 = arith.constant 0 : i32
      %dma_wait3A_498 = tpu.memref_slice %arg6[%dma_wait3A_495, %dma_wait3A_496, %dma_wait3A_497] : memref<8x200x32xf32, #tpu.memory_space<vmem>> -> memref<1x200x32xf32, #tpu.memory_space<vmem>>
      %dma_wait3A_499 = tpu.memref_squeeze %dma_wait3A_498 : memref<1x200x32xf32, #tpu.memory_space<vmem>> -> memref<200x32xf32, #tpu.memory_space<vmem>>
      %dma_wait3A_500 = tpu.memref_slice %arg5[%mul3A_494] : memref<25600xi32, #tpu.memory_space<vmem>> -> memref<200xi32, #tpu.memory_space<vmem>>
      %dma_wait3A_501 = arith.constant 0 : i32
      %dma_wait3A_502 = arith.constant 0 : i32
      %dma_wait3A_503 = tpu.memref_slice %arg2[%dma_wait3A_501, %dma_wait3A_502] : memref<1000000x32xf32, #tpu.memory_space<hbm>> -> memref<1000000x32xf32, #tpu.memory_space<hbm>>
      tpu.wait_indirect_dma semaphore(%arg9 : memref<!tpu.dma_semaphore, #tpu.memory_space<semaphore_mem>>) src(%dma_wait3A_503 : memref<1000000x32xf32, #tpu.memory_space<hbm>>) dst(%dma_wait3A_499 : memref<200x32xf32, #tpu.memory_space<vmem>>)
      %mul3A_504 = arith.constant 200 : i32
      %mul3A_505 = arith.muli %add3A_492, %mul3A_504 : i32
      %add3A_506 = arith.addi %mul3A_2, %mul3A_505 : i32
      %jit3A_507 = arith.constant 200 : i32
      %div3A_508 = arith.divsi %add3A_506, %jit3A_507 : i32
      %sign3A_509 = arith.constant 0 : i32
      %sign3A_510 = arith.cmpi sgt, %add3A_506, %sign3A_509 : i32
      %sign3A_511 = arith.extui %sign3A_510 : i1 to i32
      %sign3A_512 = arith.constant 0 : i32
      %sign3A_513 = arith.cmpi slt, %add3A_506, %sign3A_512 : i32
      %sign3A_514 = arith.extui %sign3A_513 : i1 to i32
      %sign3A_515 = arith.subi %sign3A_511, %sign3A_514 : i32
      %sign3A_516 = arith.constant 0 : i32
      %sign3A_517 = arith.cmpi sgt, %jit3A_507, %sign3A_516 : i32
      %sign3A_518 = arith.extui %sign3A_517 : i1 to i32
      %sign3A_519 = arith.constant 0 : i32
      %sign3A_520 = arith.cmpi slt, %jit3A_507, %sign3A_519 : i32
      %sign3A_521 = arith.extui %sign3A_520 : i1 to i32
      %sign3A_522 = arith.subi %sign3A_518, %sign3A_521 : i32
      %ne3A_523 = arith.cmpi ne, %sign3A_515, %sign3A_522 : i32
      %rem3A_524 = arith.remsi %add3A_506, %jit3A_507 : i32
      %ne3A_525 = arith.constant 0 : i32
      %ne3A_526 = arith.cmpi ne, %rem3A_524, %ne3A_525 : i32
      %and3A_527 = arith.andi %ne3A_523, %ne3A_526 : i1
      %sub3A_528 = arith.constant 1 : i32
      %sub3A_529 = arith.subi %div3A_508, %sub3A_528 : i32
      %select_n3A_530 = arith.select %and3A_527, %sub3A_529, %div3A_508 : i32
      %dma_start3A_531 = arith.constant 1 : i32
      %dma_start3A_532 = arith.constant 0 : i32
      %dma_start3A_533 = arith.constant 0 : i32
      %dma_start3A_534 = tpu.memref_slice %arg6[%dma_start3A_531, %dma_start3A_532, %dma_start3A_533] : memref<8x200x32xf32, #tpu.memory_space<vmem>> -> memref<1x200x32xf32, #tpu.memory_space<vmem>>
      %dma_start3A_535 = tpu.memref_squeeze %dma_start3A_534 : memref<1x200x32xf32, #tpu.memory_space<vmem>> -> memref<200x32xf32, #tpu.memory_space<vmem>>
      %dma_start3A_536 = arith.constant 0 : i32
      %dma_start3A_537 = arith.constant 0 : i32
      %dma_start3A_538 = tpu.memref_slice %arg4[%select_n3A_530, %dma_start3A_536, %dma_start3A_537] : memref<4096x200x32xf32, #tpu.memory_space<hbm>> -> memref<1x200x32xf32, #tpu.memory_space<hbm>>
      %dma_start3A_539 = tpu.memref_squeeze %dma_start3A_538 : memref<1x200x32xf32, #tpu.memory_space<hbm>> -> memref<200x32xf32, #tpu.memory_space<hbm>>
      %dma_start3A_540 = arith.constant 0 : i32
      %dma_start3A_541 = arith.constant 0 : i32
      %dma_start3A_542 = tpu.memref_slice %arg4[%select_n3A_530, %dma_start3A_540, %dma_start3A_541] : memref<4096x200x32xf32, #tpu.memory_space<hbm>> -> memref<1x200x32xf32, #tpu.memory_space<hbm>>
      %dma_start3A_543 = tpu.memref_squeeze %dma_start3A_542 : memref<1x200x32xf32, #tpu.memory_space<hbm>> -> memref<200x32xf32, #tpu.memory_space<hbm>>
      %dma_start3A_544 = arith.constant 0 : i32
      %dma_start3A_545 = arith.constant 0 : i32
      %dma_start3A_546 = tpu.memref_slice %arg6[%dma_start3A_531, %dma_start3A_544, %dma_start3A_545] : memref<8x200x32xf32, #tpu.memory_space<vmem>> -> memref<1x200x32xf32, #tpu.memory_space<vmem>>
      %dma_start3A_547 = tpu.memref_squeeze %dma_start3A_546 : memref<1x200x32xf32, #tpu.memory_space<vmem>> -> memref<200x32xf32, #tpu.memory_space<vmem>>
      tpu.enqueue_dma source(%dma_start3A_547 : memref<200x32xf32, #tpu.memory_space<vmem>>) target(%dma_start3A_543 : memref<200x32xf32, #tpu.memory_space<hbm>>) target_semaphore(%arg17 : memref<!tpu.dma_semaphore, #tpu.memory_space<semaphore_mem>>)
      %add3A_548 = arith.constant 8 : i32
      %add3A_549 = arith.addi %add3A_492, %add3A_548 : i32
      %lt3A_550 = arith.constant 128 : i32
      %lt3A_551 = arith.cmpi slt, %add3A_549, %lt3A_550 : i32
      %convert_element_type3A_552 = arith.extui %lt3A_551 : i1 to i32
      %cond3A_553 = arith.constant 0 : i32
      %cond3A_554 = arith.cmpi ne, %convert_element_type3A_552, %cond3A_553 : i32
      scf.if %cond3A_554 {
        %mul3A_939 = arith.constant 200 : i32
        %mul3A_940 = arith.muli %add3A_492, %mul3A_939 : i32
        %add3A_941 = arith.addi %mul3A_2, %mul3A_940 : i32
        %jit3A_942 = arith.constant 200 : i32
        %div3A_943 = arith.divsi %add3A_941, %jit3A_942 : i32
        %sign3A_944 = arith.constant 0 : i32
        %sign3A_945 = arith.cmpi sgt, %add3A_941, %sign3A_944 : i32
        %sign3A_946 = arith.extui %sign3A_945 : i1 to i32
        %sign3A_947 = arith.constant 0 : i32
        %sign3A_948 = arith.cmpi slt, %add3A_941, %sign3A_947 : i32
        %sign3A_949 = arith.extui %sign3A_948 : i1 to i32
        %sign3A_950 = arith.subi %sign3A_946, %sign3A_949 : i32
        %sign3A_951 = arith.constant 0 : i32
        %sign3A_952 = arith.cmpi sgt, %jit3A_942, %sign3A_951 : i32
        %sign3A_953 = arith.extui %sign3A_952 : i1 to i32
        %sign3A_954 = arith.constant 0 : i32
        %sign3A_955 = arith.cmpi slt, %jit3A_942, %sign3A_954 : i32
        %sign3A_956 = arith.extui %sign3A_955 : i1 to i32
        %sign3A_957 = arith.subi %sign3A_953, %sign3A_956 : i32
        %ne3A_958 = arith.cmpi ne, %sign3A_950, %sign3A_957 : i32
        %rem3A_959 = arith.remsi %add3A_941, %jit3A_942 : i32
        %ne3A_960 = arith.constant 0 : i32
        %ne3A_961 = arith.cmpi ne, %rem3A_959, %ne3A_960 : i32
        %and3A_962 = arith.andi %ne3A_958, %ne3A_961 : i1
        %sub3A_963 = arith.constant 1 : i32
        %sub3A_964 = arith.subi %div3A_943, %sub3A_963 : i32
        %select_n3A_965 = arith.select %and3A_962, %sub3A_964, %div3A_943 : i32
        %dma_wait3A_966 = arith.constant 1 : i32
        %dma_wait3A_967 = arith.constant 0 : i32
        %dma_wait3A_968 = arith.constant 0 : i32
        %dma_wait3A_969 = tpu.memref_slice %arg6[%dma_wait3A_966, %dma_wait3A_967, %dma_wait3A_968] : memref<8x200x32xf32, #tpu.memory_space<vmem>> -> memref<1x200x32xf32, #tpu.memory_space<vmem>>
        %dma_wait3A_970 = tpu.memref_squeeze %dma_wait3A_969 : memref<1x200x32xf32, #tpu.memory_space<vmem>> -> memref<200x32xf32, #tpu.memory_space<vmem>>
        %dma_wait3A_971 = arith.constant 0 : i32
        %dma_wait3A_972 = arith.constant 0 : i32
        %dma_wait3A_973 = tpu.memref_slice %arg4[%select_n3A_965, %dma_wait3A_971, %dma_wait3A_972] : memref<4096x200x32xf32, #tpu.memory_space<hbm>> -> memref<1x200x32xf32, #tpu.memory_space<hbm>>
        %dma_wait3A_974 = tpu.memref_squeeze %dma_wait3A_973 : memref<1x200x32xf32, #tpu.memory_space<hbm>> -> memref<200x32xf32, #tpu.memory_space<hbm>>
        %dma_wait3A_975 = arith.constant 0 : i32
        %dma_wait3A_976 = arith.constant 0 : i32
        %dma_wait3A_977 = tpu.memref_slice %arg4[%select_n3A_965, %dma_wait3A_975, %dma_wait3A_976] : memref<4096x200x32xf32, #tpu.memory_space<hbm>> -> memref<1x200x32xf32, #tpu.memory_space<hbm>>
        %dma_wait3A_978 = tpu.memref_squeeze %dma_wait3A_977 : memref<1x200x32xf32, #tpu.memory_space<hbm>> -> memref<200x32xf32, #tpu.memory_space<hbm>>
        %dma_wait3A_979 = arith.constant 0 : i32
        %dma_wait3A_980 = arith.constant 0 : i32
        %dma_wait3A_981 = tpu.memref_slice %arg6[%dma_wait3A_966, %dma_wait3A_979, %dma_wait3A_980] : memref<8x200x32xf32, #tpu.memory_space<vmem>> -> memref<1x200x32xf32, #tpu.memory_space<vmem>>
        %dma_wait3A_982 = tpu.memref_squeeze %dma_wait3A_981 : memref<1x200x32xf32, #tpu.memory_space<vmem>> -> memref<200x32xf32, #tpu.memory_space<vmem>>
        tpu.wait_dma2 semaphore(%arg17 : memref<!tpu.dma_semaphore, #tpu.memory_space<semaphore_mem>>) src(%dma_wait3A_982 : memref<200x32xf32, #tpu.memory_space<vmem>>) dst(%dma_wait3A_978 : memref<200x32xf32, #tpu.memory_space<hbm>>)
        %mul3A_983 = arith.constant 200 : i32
        %mul3A_984 = arith.muli %add3A_549, %mul3A_983 : i32
        %dma_start3A_985 = arith.constant 1 : i32
        %dma_start3A_986 = arith.constant 0 : i32
        %dma_start3A_987 = arith.constant 0 : i32
        %dma_start3A_988 = tpu.memref_slice %arg6[%dma_start3A_985, %dma_start3A_986, %dma_start3A_987] : memref<8x200x32xf32, #tpu.memory_space<vmem>> -> memref<1x200x32xf32, #tpu.memory_space<vmem>>
        %dma_start3A_989 = tpu.memref_squeeze %dma_start3A_988 : memref<1x200x32xf32, #tpu.memory_space<vmem>> -> memref<200x32xf32, #tpu.memory_space<vmem>>
        %dma_start3A_990 = tpu.memref_slice %arg5[%mul3A_984] : memref<25600xi32, #tpu.memory_space<vmem>> -> memref<200xi32, #tpu.memory_space<vmem>>
        %dma_start3A_991 = arith.constant 0 : i32
        %dma_start3A_992 = arith.constant 0 : i32
        %dma_start3A_993 = tpu.memref_slice %arg2[%dma_start3A_991, %dma_start3A_992] : memref<1000000x32xf32, #tpu.memory_space<hbm>> -> memref<1000000x32xf32, #tpu.memory_space<hbm>>
        tpu.enqueue_indirect_dma source(%dma_start3A_993 : memref<1000000x32xf32, #tpu.memory_space<hbm>>) target(%dma_start3A_989 : memref<200x32xf32, #tpu.memory_space<vmem>>) offsets(%dma_start3A_990 : memref<200xi32, #tpu.memory_space<vmem>>) semaphore(%arg9 : memref<!tpu.dma_semaphore, #tpu.memory_space<semaphore_mem>>)
      } else {
      }
      %add3A_555 = arith.constant 2 : i32
      %add3A_556 = arith.addi %add3A_429, %add3A_555 : i32
      %mul3A_557 = arith.constant 200 : i32
      %mul3A_558 = arith.muli %add3A_556, %mul3A_557 : i32
      %dma_wait3A_559 = arith.constant 2 : i32
      %dma_wait3A_560 = arith.constant 0 : i32
      %dma_wait3A_561 = arith.constant 0 : i32
      %dma_wait3A_562 = tpu.memref_slice %arg6[%dma_wait3A_559, %dma_wait3A_560, %dma_wait3A_561] : memref<8x200x32xf32, #tpu.memory_space<vmem>> -> memref<1x200x32xf32, #tpu.memory_space<vmem>>
      %dma_wait3A_563 = tpu.memref_squeeze %dma_wait3A_562 : memref<1x200x32xf32, #tpu.memory_space<vmem>> -> memref<200x32xf32, #tpu.memory_space<vmem>>
      %dma_wait3A_564 = tpu.memref_slice %arg5[%mul3A_558] : memref<25600xi32, #tpu.memory_space<vmem>> -> memref<200xi32, #tpu.memory_space<vmem>>
      %dma_wait3A_565 = arith.constant 0 : i32
      %dma_wait3A_566 = arith.constant 0 : i32
      %dma_wait3A_567 = tpu.memref_slice %arg2[%dma_wait3A_565, %dma_wait3A_566] : memref<1000000x32xf32, #tpu.memory_space<hbm>> -> memref<1000000x32xf32, #tpu.memory_space<hbm>>
      tpu.wait_indirect_dma semaphore(%arg10 : memref<!tpu.dma_semaphore, #tpu.memory_space<semaphore_mem>>) src(%dma_wait3A_567 : memref<1000000x32xf32, #tpu.memory_space<hbm>>) dst(%dma_wait3A_563 : memref<200x32xf32, #tpu.memory_space<vmem>>)
      %mul3A_568 = arith.constant 200 : i32
      %mul3A_569 = arith.muli %add3A_556, %mul3A_568 : i32
      %add3A_570 = arith.addi %mul3A_2, %mul3A_569 : i32
      %jit3A_571 = arith.constant 200 : i32
      %div3A_572 = arith.divsi %add3A_570, %jit3A_571 : i32
      %sign3A_573 = arith.constant 0 : i32
      %sign3A_574 = arith.cmpi sgt, %add3A_570, %sign3A_573 : i32
      %sign3A_575 = arith.extui %sign3A_574 : i1 to i32
      %sign3A_576 = arith.constant 0 : i32
      %sign3A_577 = arith.cmpi slt, %add3A_570, %sign3A_576 : i32
      %sign3A_578 = arith.extui %sign3A_577 : i1 to i32
      %sign3A_579 = arith.subi %sign3A_575, %sign3A_578 : i32
      %sign3A_580 = arith.constant 0 : i32
      %sign3A_581 = arith.cmpi sgt, %jit3A_571, %sign3A_580 : i32
      %sign3A_582 = arith.extui %sign3A_581 : i1 to i32
      %sign3A_583 = arith.constant 0 : i32
      %sign3A_584 = arith.cmpi slt, %jit3A_571, %sign3A_583 : i32
      %sign3A_585 = arith.extui %sign3A_584 : i1 to i32
      %sign3A_586 = arith.subi %sign3A_582, %sign3A_585 : i32
      %ne3A_587 = arith.cmpi ne, %sign3A_579, %sign3A_586 : i32
      %rem3A_588 = arith.remsi %add3A_570, %jit3A_571 : i32
      %ne3A_589 = arith.constant 0 : i32
      %ne3A_590 = arith.cmpi ne, %rem3A_588, %ne3A_589 : i32
      %and3A_591 = arith.andi %ne3A_587, %ne3A_590 : i1
      %sub3A_592 = arith.constant 1 : i32
      %sub3A_593 = arith.subi %div3A_572, %sub3A_592 : i32
      %select_n3A_594 = arith.select %and3A_591, %sub3A_593, %div3A_572 : i32
      %dma_start3A_595 = arith.constant 2 : i32
      %dma_start3A_596 = arith.constant 0 : i32
      %dma_start3A_597 = arith.constant 0 : i32
      %dma_start3A_598 = tpu.memref_slice %arg6[%dma_start3A_595, %dma_start3A_596, %dma_start3A_597] : memref<8x200x32xf32, #tpu.memory_space<vmem>> -> memref<1x200x32xf32, #tpu.memory_space<vmem>>
      %dma_start3A_599 = tpu.memref_squeeze %dma_start3A_598 : memref<1x200x32xf32, #tpu.memory_space<vmem>> -> memref<200x32xf32, #tpu.memory_space<vmem>>
      %dma_start3A_600 = arith.constant 0 : i32
      %dma_start3A_601 = arith.constant 0 : i32
      %dma_start3A_602 = tpu.memref_slice %arg4[%select_n3A_594, %dma_start3A_600, %dma_start3A_601] : memref<4096x200x32xf32, #tpu.memory_space<hbm>> -> memref<1x200x32xf32, #tpu.memory_space<hbm>>
      %dma_start3A_603 = tpu.memref_squeeze %dma_start3A_602 : memref<1x200x32xf32, #tpu.memory_space<hbm>> -> memref<200x32xf32, #tpu.memory_space<hbm>>
      %dma_start3A_604 = arith.constant 0 : i32
      %dma_start3A_605 = arith.constant 0 : i32
      %dma_start3A_606 = tpu.memref_slice %arg4[%select_n3A_594, %dma_start3A_604, %dma_start3A_605] : memref<4096x200x32xf32, #tpu.memory_space<hbm>> -> memref<1x200x32xf32, #tpu.memory_space<hbm>>
      %dma_start3A_607 = tpu.memref_squeeze %dma_start3A_606 : memref<1x200x32xf32, #tpu.memory_space<hbm>> -> memref<200x32xf32, #tpu.memory_space<hbm>>
      %dma_start3A_608 = arith.constant 0 : i32
      %dma_start3A_609 = arith.constant 0 : i32
      %dma_start3A_610 = tpu.memref_slice %arg6[%dma_start3A_595, %dma_start3A_608, %dma_start3A_609] : memref<8x200x32xf32, #tpu.memory_space<vmem>> -> memref<1x200x32xf32, #tpu.memory_space<vmem>>
      %dma_start3A_611 = tpu.memref_squeeze %dma_start3A_610 : memref<1x200x32xf32, #tpu.memory_space<vmem>> -> memref<200x32xf32, #tpu.memory_space<vmem>>
      tpu.enqueue_dma source(%dma_start3A_611 : memref<200x32xf32, #tpu.memory_space<vmem>>) target(%dma_start3A_607 : memref<200x32xf32, #tpu.memory_space<hbm>>) target_semaphore(%arg18 : memref<!tpu.dma_semaphore, #tpu.memory_space<semaphore_mem>>)
      %add3A_612 = arith.constant 8 : i32
      %add3A_613 = arith.addi %add3A_556, %add3A_612 : i32
      %lt3A_614 = arith.constant 128 : i32
      %lt3A_615 = arith.cmpi slt, %add3A_613, %lt3A_614 : i32
      %convert_element_type3A_616 = arith.extui %lt3A_615 : i1 to i32
      %cond3A_617 = arith.constant 0 : i32
      %cond3A_618 = arith.cmpi ne, %convert_element_type3A_616, %cond3A_617 : i32
      scf.if %cond3A_618 {
        %mul3A_939 = arith.constant 200 : i32
        %mul3A_940 = arith.muli %add3A_556, %mul3A_939 : i32
        %add3A_941 = arith.addi %mul3A_2, %mul3A_940 : i32
        %jit3A_942 = arith.constant 200 : i32
        %div3A_943 = arith.divsi %add3A_941, %jit3A_942 : i32
        %sign3A_944 = arith.constant 0 : i32
        %sign3A_945 = arith.cmpi sgt, %add3A_941, %sign3A_944 : i32
        %sign3A_946 = arith.extui %sign3A_945 : i1 to i32
        %sign3A_947 = arith.constant 0 : i32
        %sign3A_948 = arith.cmpi slt, %add3A_941, %sign3A_947 : i32
        %sign3A_949 = arith.extui %sign3A_948 : i1 to i32
        %sign3A_950 = arith.subi %sign3A_946, %sign3A_949 : i32
        %sign3A_951 = arith.constant 0 : i32
        %sign3A_952 = arith.cmpi sgt, %jit3A_942, %sign3A_951 : i32
        %sign3A_953 = arith.extui %sign3A_952 : i1 to i32
        %sign3A_954 = arith.constant 0 : i32
        %sign3A_955 = arith.cmpi slt, %jit3A_942, %sign3A_954 : i32
        %sign3A_956 = arith.extui %sign3A_955 : i1 to i32
        %sign3A_957 = arith.subi %sign3A_953, %sign3A_956 : i32
        %ne3A_958 = arith.cmpi ne, %sign3A_950, %sign3A_957 : i32
        %rem3A_959 = arith.remsi %add3A_941, %jit3A_942 : i32
        %ne3A_960 = arith.constant 0 : i32
        %ne3A_961 = arith.cmpi ne, %rem3A_959, %ne3A_960 : i32
        %and3A_962 = arith.andi %ne3A_958, %ne3A_961 : i1
        %sub3A_963 = arith.constant 1 : i32
        %sub3A_964 = arith.subi %div3A_943, %sub3A_963 : i32
        %select_n3A_965 = arith.select %and3A_962, %sub3A_964, %div3A_943 : i32
        %dma_wait3A_966 = arith.constant 2 : i32
        %dma_wait3A_967 = arith.constant 0 : i32
        %dma_wait3A_968 = arith.constant 0 : i32
        %dma_wait3A_969 = tpu.memref_slice %arg6[%dma_wait3A_966, %dma_wait3A_967, %dma_wait3A_968] : memref<8x200x32xf32, #tpu.memory_space<vmem>> -> memref<1x200x32xf32, #tpu.memory_space<vmem>>
        %dma_wait3A_970 = tpu.memref_squeeze %dma_wait3A_969 : memref<1x200x32xf32, #tpu.memory_space<vmem>> -> memref<200x32xf32, #tpu.memory_space<vmem>>
        %dma_wait3A_971 = arith.constant 0 : i32
        %dma_wait3A_972 = arith.constant 0 : i32
        %dma_wait3A_973 = tpu.memref_slice %arg4[%select_n3A_965, %dma_wait3A_971, %dma_wait3A_972] : memref<4096x200x32xf32, #tpu.memory_space<hbm>> -> memref<1x200x32xf32, #tpu.memory_space<hbm>>
        %dma_wait3A_974 = tpu.memref_squeeze %dma_wait3A_973 : memref<1x200x32xf32, #tpu.memory_space<hbm>> -> memref<200x32xf32, #tpu.memory_space<hbm>>
        %dma_wait3A_975 = arith.constant 0 : i32
        %dma_wait3A_976 = arith.constant 0 : i32
        %dma_wait3A_977 = tpu.memref_slice %arg4[%select_n3A_965, %dma_wait3A_975, %dma_wait3A_976] : memref<4096x200x32xf32, #tpu.memory_space<hbm>> -> memref<1x200x32xf32, #tpu.memory_space<hbm>>
        %dma_wait3A_978 = tpu.memref_squeeze %dma_wait3A_977 : memref<1x200x32xf32, #tpu.memory_space<hbm>> -> memref<200x32xf32, #tpu.memory_space<hbm>>
        %dma_wait3A_979 = arith.constant 0 : i32
        %dma_wait3A_980 = arith.constant 0 : i32
        %dma_wait3A_981 = tpu.memref_slice %arg6[%dma_wait3A_966, %dma_wait3A_979, %dma_wait3A_980] : memref<8x200x32xf32, #tpu.memory_space<vmem>> -> memref<1x200x32xf32, #tpu.memory_space<vmem>>
        %dma_wait3A_982 = tpu.memref_squeeze %dma_wait3A_981 : memref<1x200x32xf32, #tpu.memory_space<vmem>> -> memref<200x32xf32, #tpu.memory_space<vmem>>
        tpu.wait_dma2 semaphore(%arg18 : memref<!tpu.dma_semaphore, #tpu.memory_space<semaphore_mem>>) src(%dma_wait3A_982 : memref<200x32xf32, #tpu.memory_space<vmem>>) dst(%dma_wait3A_978 : memref<200x32xf32, #tpu.memory_space<hbm>>)
        %mul3A_983 = arith.constant 200 : i32
        %mul3A_984 = arith.muli %add3A_613, %mul3A_983 : i32
        %dma_start3A_985 = arith.constant 2 : i32
        %dma_start3A_986 = arith.constant 0 : i32
        %dma_start3A_987 = arith.constant 0 : i32
        %dma_start3A_988 = tpu.memref_slice %arg6[%dma_start3A_985, %dma_start3A_986, %dma_start3A_987] : memref<8x200x32xf32, #tpu.memory_space<vmem>> -> memref<1x200x32xf32, #tpu.memory_space<vmem>>
        %dma_start3A_989 = tpu.memref_squeeze %dma_start3A_988 : memref<1x200x32xf32, #tpu.memory_space<vmem>> -> memref<200x32xf32, #tpu.memory_space<vmem>>
        %dma_start3A_990 = tpu.memref_slice %arg5[%mul3A_984] : memref<25600xi32, #tpu.memory_space<vmem>> -> memref<200xi32, #tpu.memory_space<vmem>>
        %dma_start3A_991 = arith.constant 0 : i32
        %dma_start3A_992 = arith.constant 0 : i32
        %dma_start3A_993 = tpu.memref_slice %arg2[%dma_start3A_991, %dma_start3A_992] : memref<1000000x32xf32, #tpu.memory_space<hbm>> -> memref<1000000x32xf32, #tpu.memory_space<hbm>>
        tpu.enqueue_indirect_dma source(%dma_start3A_993 : memref<1000000x32xf32, #tpu.memory_space<hbm>>) target(%dma_start3A_989 : memref<200x32xf32, #tpu.memory_space<vmem>>) offsets(%dma_start3A_990 : memref<200xi32, #tpu.memory_space<vmem>>) semaphore(%arg10 : memref<!tpu.dma_semaphore, #tpu.memory_space<semaphore_mem>>)
      } else {
      }
      %add3A_619 = arith.constant 3 : i32
      %add3A_620 = arith.addi %add3A_429, %add3A_619 : i32
      %mul3A_621 = arith.constant 200 : i32
      %mul3A_622 = arith.muli %add3A_620, %mul3A_621 : i32
      %dma_wait3A_623 = arith.constant 3 : i32
      %dma_wait3A_624 = arith.constant 0 : i32
      %dma_wait3A_625 = arith.constant 0 : i32
      %dma_wait3A_626 = tpu.memref_slice %arg6[%dma_wait3A_623, %dma_wait3A_624, %dma_wait3A_625] : memref<8x200x32xf32, #tpu.memory_space<vmem>> -> memref<1x200x32xf32, #tpu.memory_space<vmem>>
      %dma_wait3A_627 = tpu.memref_squeeze %dma_wait3A_626 : memref<1x200x32xf32, #tpu.memory_space<vmem>> -> memref<200x32xf32, #tpu.memory_space<vmem>>
      %dma_wait3A_628 = tpu.memref_slice %arg5[%mul3A_622] : memref<25600xi32, #tpu.memory_space<vmem>> -> memref<200xi32, #tpu.memory_space<vmem>>
      %dma_wait3A_629 = arith.constant 0 : i32
      %dma_wait3A_630 = arith.constant 0 : i32
      %dma_wait3A_631 = tpu.memref_slice %arg2[%dma_wait3A_629, %dma_wait3A_630] : memref<1000000x32xf32, #tpu.memory_space<hbm>> -> memref<1000000x32xf32, #tpu.memory_space<hbm>>
      tpu.wait_indirect_dma semaphore(%arg11 : memref<!tpu.dma_semaphore, #tpu.memory_space<semaphore_mem>>) src(%dma_wait3A_631 : memref<1000000x32xf32, #tpu.memory_space<hbm>>) dst(%dma_wait3A_627 : memref<200x32xf32, #tpu.memory_space<vmem>>)
      %mul3A_632 = arith.constant 200 : i32
      %mul3A_633 = arith.muli %add3A_620, %mul3A_632 : i32
      %add3A_634 = arith.addi %mul3A_2, %mul3A_633 : i32
      %jit3A_635 = arith.constant 200 : i32
      %div3A_636 = arith.divsi %add3A_634, %jit3A_635 : i32
      %sign3A_637 = arith.constant 0 : i32
      %sign3A_638 = arith.cmpi sgt, %add3A_634, %sign3A_637 : i32
      %sign3A_639 = arith.extui %sign3A_638 : i1 to i32
      %sign3A_640 = arith.constant 0 : i32
      %sign3A_641 = arith.cmpi slt, %add3A_634, %sign3A_640 : i32
      %sign3A_642 = arith.extui %sign3A_641 : i1 to i32
      %sign3A_643 = arith.subi %sign3A_639, %sign3A_642 : i32
      %sign3A_644 = arith.constant 0 : i32
      %sign3A_645 = arith.cmpi sgt, %jit3A_635, %sign3A_644 : i32
      %sign3A_646 = arith.extui %sign3A_645 : i1 to i32
      %sign3A_647 = arith.constant 0 : i32
      %sign3A_648 = arith.cmpi slt, %jit3A_635, %sign3A_647 : i32
      %sign3A_649 = arith.extui %sign3A_648 : i1 to i32
      %sign3A_650 = arith.subi %sign3A_646, %sign3A_649 : i32
      %ne3A_651 = arith.cmpi ne, %sign3A_643, %sign3A_650 : i32
      %rem3A_652 = arith.remsi %add3A_634, %jit3A_635 : i32
      %ne3A_653 = arith.constant 0 : i32
      %ne3A_654 = arith.cmpi ne, %rem3A_652, %ne3A_653 : i32
      %and3A_655 = arith.andi %ne3A_651, %ne3A_654 : i1
      %sub3A_656 = arith.constant 1 : i32
      %sub3A_657 = arith.subi %div3A_636, %sub3A_656 : i32
      %select_n3A_658 = arith.select %and3A_655, %sub3A_657, %div3A_636 : i32
      %dma_start3A_659 = arith.constant 3 : i32
      %dma_start3A_660 = arith.constant 0 : i32
      %dma_start3A_661 = arith.constant 0 : i32
      %dma_start3A_662 = tpu.memref_slice %arg6[%dma_start3A_659, %dma_start3A_660, %dma_start3A_661] : memref<8x200x32xf32, #tpu.memory_space<vmem>> -> memref<1x200x32xf32, #tpu.memory_space<vmem>>
      %dma_start3A_663 = tpu.memref_squeeze %dma_start3A_662 : memref<1x200x32xf32, #tpu.memory_space<vmem>> -> memref<200x32xf32, #tpu.memory_space<vmem>>
      %dma_start3A_664 = arith.constant 0 : i32
      %dma_start3A_665 = arith.constant 0 : i32
      %dma_start3A_666 = tpu.memref_slice %arg4[%select_n3A_658, %dma_start3A_664, %dma_start3A_665] : memref<4096x200x32xf32, #tpu.memory_space<hbm>> -> memref<1x200x32xf32, #tpu.memory_space<hbm>>
      %dma_start3A_667 = tpu.memref_squeeze %dma_start3A_666 : memref<1x200x32xf32, #tpu.memory_space<hbm>> -> memref<200x32xf32, #tpu.memory_space<hbm>>
      %dma_start3A_668 = arith.constant 0 : i32
      %dma_start3A_669 = arith.constant 0 : i32
      %dma_start3A_670 = tpu.memref_slice %arg4[%select_n3A_658, %dma_start3A_668, %dma_start3A_669] : memref<4096x200x32xf32, #tpu.memory_space<hbm>> -> memref<1x200x32xf32, #tpu.memory_space<hbm>>
      %dma_start3A_671 = tpu.memref_squeeze %dma_start3A_670 : memref<1x200x32xf32, #tpu.memory_space<hbm>> -> memref<200x32xf32, #tpu.memory_space<hbm>>
      %dma_start3A_672 = arith.constant 0 : i32
      %dma_start3A_673 = arith.constant 0 : i32
      %dma_start3A_674 = tpu.memref_slice %arg6[%dma_start3A_659, %dma_start3A_672, %dma_start3A_673] : memref<8x200x32xf32, #tpu.memory_space<vmem>> -> memref<1x200x32xf32, #tpu.memory_space<vmem>>
      %dma_start3A_675 = tpu.memref_squeeze %dma_start3A_674 : memref<1x200x32xf32, #tpu.memory_space<vmem>> -> memref<200x32xf32, #tpu.memory_space<vmem>>
      tpu.enqueue_dma source(%dma_start3A_675 : memref<200x32xf32, #tpu.memory_space<vmem>>) target(%dma_start3A_671 : memref<200x32xf32, #tpu.memory_space<hbm>>) target_semaphore(%arg19 : memref<!tpu.dma_semaphore, #tpu.memory_space<semaphore_mem>>)
      %add3A_676 = arith.constant 8 : i32
      %add3A_677 = arith.addi %add3A_620, %add3A_676 : i32
      %lt3A_678 = arith.constant 128 : i32
      %lt3A_679 = arith.cmpi slt, %add3A_677, %lt3A_678 : i32
      %convert_element_type3A_680 = arith.extui %lt3A_679 : i1 to i32
      %cond3A_681 = arith.constant 0 : i32
      %cond3A_682 = arith.cmpi ne, %convert_element_type3A_680, %cond3A_681 : i32
      scf.if %cond3A_682 {
        %mul3A_939 = arith.constant 200 : i32
        %mul3A_940 = arith.muli %add3A_620, %mul3A_939 : i32
        %add3A_941 = arith.addi %mul3A_2, %mul3A_940 : i32
        %jit3A_942 = arith.constant 200 : i32
        %div3A_943 = arith.divsi %add3A_941, %jit3A_942 : i32
        %sign3A_944 = arith.constant 0 : i32
        %sign3A_945 = arith.cmpi sgt, %add3A_941, %sign3A_944 : i32
        %sign3A_946 = arith.extui %sign3A_945 : i1 to i32
        %sign3A_947 = arith.constant 0 : i32
        %sign3A_948 = arith.cmpi slt, %add3A_941, %sign3A_947 : i32
        %sign3A_949 = arith.extui %sign3A_948 : i1 to i32
        %sign3A_950 = arith.subi %sign3A_946, %sign3A_949 : i32
        %sign3A_951 = arith.constant 0 : i32
        %sign3A_952 = arith.cmpi sgt, %jit3A_942, %sign3A_951 : i32
        %sign3A_953 = arith.extui %sign3A_952 : i1 to i32
        %sign3A_954 = arith.constant 0 : i32
        %sign3A_955 = arith.cmpi slt, %jit3A_942, %sign3A_954 : i32
        %sign3A_956 = arith.extui %sign3A_955 : i1 to i32
        %sign3A_957 = arith.subi %sign3A_953, %sign3A_956 : i32
        %ne3A_958 = arith.cmpi ne, %sign3A_950, %sign3A_957 : i32
        %rem3A_959 = arith.remsi %add3A_941, %jit3A_942 : i32
        %ne3A_960 = arith.constant 0 : i32
        %ne3A_961 = arith.cmpi ne, %rem3A_959, %ne3A_960 : i32
        %and3A_962 = arith.andi %ne3A_958, %ne3A_961 : i1
        %sub3A_963 = arith.constant 1 : i32
        %sub3A_964 = arith.subi %div3A_943, %sub3A_963 : i32
        %select_n3A_965 = arith.select %and3A_962, %sub3A_964, %div3A_943 : i32
        %dma_wait3A_966 = arith.constant 3 : i32
        %dma_wait3A_967 = arith.constant 0 : i32
        %dma_wait3A_968 = arith.constant 0 : i32
        %dma_wait3A_969 = tpu.memref_slice %arg6[%dma_wait3A_966, %dma_wait3A_967, %dma_wait3A_968] : memref<8x200x32xf32, #tpu.memory_space<vmem>> -> memref<1x200x32xf32, #tpu.memory_space<vmem>>
        %dma_wait3A_970 = tpu.memref_squeeze %dma_wait3A_969 : memref<1x200x32xf32, #tpu.memory_space<vmem>> -> memref<200x32xf32, #tpu.memory_space<vmem>>
        %dma_wait3A_971 = arith.constant 0 : i32
        %dma_wait3A_972 = arith.constant 0 : i32
        %dma_wait3A_973 = tpu.memref_slice %arg4[%select_n3A_965, %dma_wait3A_971, %dma_wait3A_972] : memref<4096x200x32xf32, #tpu.memory_space<hbm>> -> memref<1x200x32xf32, #tpu.memory_space<hbm>>
        %dma_wait3A_974 = tpu.memref_squeeze %dma_wait3A_973 : memref<1x200x32xf32, #tpu.memory_space<hbm>> -> memref<200x32xf32, #tpu.memory_space<hbm>>
        %dma_wait3A_975 = arith.constant 0 : i32
        %dma_wait3A_976 = arith.constant 0 : i32
        %dma_wait3A_977 = tpu.memref_slice %arg4[%select_n3A_965, %dma_wait3A_975, %dma_wait3A_976] : memref<4096x200x32xf32, #tpu.memory_space<hbm>> -> memref<1x200x32xf32, #tpu.memory_space<hbm>>
        %dma_wait3A_978 = tpu.memref_squeeze %dma_wait3A_977 : memref<1x200x32xf32, #tpu.memory_space<hbm>> -> memref<200x32xf32, #tpu.memory_space<hbm>>
        %dma_wait3A_979 = arith.constant 0 : i32
        %dma_wait3A_980 = arith.constant 0 : i32
        %dma_wait3A_981 = tpu.memref_slice %arg6[%dma_wait3A_966, %dma_wait3A_979, %dma_wait3A_980] : memref<8x200x32xf32, #tpu.memory_space<vmem>> -> memref<1x200x32xf32, #tpu.memory_space<vmem>>
        %dma_wait3A_982 = tpu.memref_squeeze %dma_wait3A_981 : memref<1x200x32xf32, #tpu.memory_space<vmem>> -> memref<200x32xf32, #tpu.memory_space<vmem>>
        tpu.wait_dma2 semaphore(%arg19 : memref<!tpu.dma_semaphore, #tpu.memory_space<semaphore_mem>>) src(%dma_wait3A_982 : memref<200x32xf32, #tpu.memory_space<vmem>>) dst(%dma_wait3A_978 : memref<200x32xf32, #tpu.memory_space<hbm>>)
        %mul3A_983 = arith.constant 200 : i32
        %mul3A_984 = arith.muli %add3A_677, %mul3A_983 : i32
        %dma_start3A_985 = arith.constant 3 : i32
        %dma_start3A_986 = arith.constant 0 : i32
        %dma_start3A_987 = arith.constant 0 : i32
        %dma_start3A_988 = tpu.memref_slice %arg6[%dma_start3A_985, %dma_start3A_986, %dma_start3A_987] : memref<8x200x32xf32, #tpu.memory_space<vmem>> -> memref<1x200x32xf32, #tpu.memory_space<vmem>>
        %dma_start3A_989 = tpu.memref_squeeze %dma_start3A_988 : memref<1x200x32xf32, #tpu.memory_space<vmem>> -> memref<200x32xf32, #tpu.memory_space<vmem>>
        %dma_start3A_990 = tpu.memref_slice %arg5[%mul3A_984] : memref<25600xi32, #tpu.memory_space<vmem>> -> memref<200xi32, #tpu.memory_space<vmem>>
        %dma_start3A_991 = arith.constant 0 : i32
        %dma_start3A_992 = arith.constant 0 : i32
        %dma_start3A_993 = tpu.memref_slice %arg2[%dma_start3A_991, %dma_start3A_992] : memref<1000000x32xf32, #tpu.memory_space<hbm>> -> memref<1000000x32xf32, #tpu.memory_space<hbm>>
        tpu.enqueue_indirect_dma source(%dma_start3A_993 : memref<1000000x32xf32, #tpu.memory_space<hbm>>) target(%dma_start3A_989 : memref<200x32xf32, #tpu.memory_space<vmem>>) offsets(%dma_start3A_990 : memref<200xi32, #tpu.memory_space<vmem>>) semaphore(%arg11 : memref<!tpu.dma_semaphore, #tpu.memory_space<semaphore_mem>>)
      } else {
      }
      %add3A_683 = arith.constant 4 : i32
      %add3A_684 = arith.addi %add3A_429, %add3A_683 : i32
      %mul3A_685 = arith.constant 200 : i32
      %mul3A_686 = arith.muli %add3A_684, %mul3A_685 : i32
      %dma_wait3A_687 = arith.constant 4 : i32
      %dma_wait3A_688 = arith.constant 0 : i32
      %dma_wait3A_689 = arith.constant 0 : i32
      %dma_wait3A_690 = tpu.memref_slice %arg6[%dma_wait3A_687, %dma_wait3A_688, %dma_wait3A_689] : memref<8x200x32xf32, #tpu.memory_space<vmem>> -> memref<1x200x32xf32, #tpu.memory_space<vmem>>
      %dma_wait3A_691 = tpu.memref_squeeze %dma_wait3A_690 : memref<1x200x32xf32, #tpu.memory_space<vmem>> -> memref<200x32xf32, #tpu.memory_space<vmem>>
      %dma_wait3A_692 = tpu.memref_slice %arg5[%mul3A_686] : memref<25600xi32, #tpu.memory_space<vmem>> -> memref<200xi32, #tpu.memory_space<vmem>>
      %dma_wait3A_693 = arith.constant 0 : i32
      %dma_wait3A_694 = arith.constant 0 : i32
      %dma_wait3A_695 = tpu.memref_slice %arg2[%dma_wait3A_693, %dma_wait3A_694] : memref<1000000x32xf32, #tpu.memory_space<hbm>> -> memref<1000000x32xf32, #tpu.memory_space<hbm>>
      tpu.wait_indirect_dma semaphore(%arg12 : memref<!tpu.dma_semaphore, #tpu.memory_space<semaphore_mem>>) src(%dma_wait3A_695 : memref<1000000x32xf32, #tpu.memory_space<hbm>>) dst(%dma_wait3A_691 : memref<200x32xf32, #tpu.memory_space<vmem>>)
      %mul3A_696 = arith.constant 200 : i32
      %mul3A_697 = arith.muli %add3A_684, %mul3A_696 : i32
      %add3A_698 = arith.addi %mul3A_2, %mul3A_697 : i32
      %jit3A_699 = arith.constant 200 : i32
      %div3A_700 = arith.divsi %add3A_698, %jit3A_699 : i32
      %sign3A_701 = arith.constant 0 : i32
      %sign3A_702 = arith.cmpi sgt, %add3A_698, %sign3A_701 : i32
      %sign3A_703 = arith.extui %sign3A_702 : i1 to i32
      %sign3A_704 = arith.constant 0 : i32
      %sign3A_705 = arith.cmpi slt, %add3A_698, %sign3A_704 : i32
      %sign3A_706 = arith.extui %sign3A_705 : i1 to i32
      %sign3A_707 = arith.subi %sign3A_703, %sign3A_706 : i32
      %sign3A_708 = arith.constant 0 : i32
      %sign3A_709 = arith.cmpi sgt, %jit3A_699, %sign3A_708 : i32
      %sign3A_710 = arith.extui %sign3A_709 : i1 to i32
      %sign3A_711 = arith.constant 0 : i32
      %sign3A_712 = arith.cmpi slt, %jit3A_699, %sign3A_711 : i32
      %sign3A_713 = arith.extui %sign3A_712 : i1 to i32
      %sign3A_714 = arith.subi %sign3A_710, %sign3A_713 : i32
      %ne3A_715 = arith.cmpi ne, %sign3A_707, %sign3A_714 : i32
      %rem3A_716 = arith.remsi %add3A_698, %jit3A_699 : i32
      %ne3A_717 = arith.constant 0 : i32
      %ne3A_718 = arith.cmpi ne, %rem3A_716, %ne3A_717 : i32
      %and3A_719 = arith.andi %ne3A_715, %ne3A_718 : i1
      %sub3A_720 = arith.constant 1 : i32
      %sub3A_721 = arith.subi %div3A_700, %sub3A_720 : i32
      %select_n3A_722 = arith.select %and3A_719, %sub3A_721, %div3A_700 : i32
      %dma_start3A_723 = arith.constant 4 : i32
      %dma_start3A_724 = arith.constant 0 : i32
      %dma_start3A_725 = arith.constant 0 : i32
      %dma_start3A_726 = tpu.memref_slice %arg6[%dma_start3A_723, %dma_start3A_724, %dma_start3A_725] : memref<8x200x32xf32, #tpu.memory_space<vmem>> -> memref<1x200x32xf32, #tpu.memory_space<vmem>>
      %dma_start3A_727 = tpu.memref_squeeze %dma_start3A_726 : memref<1x200x32xf32, #tpu.memory_space<vmem>> -> memref<200x32xf32, #tpu.memory_space<vmem>>
      %dma_start3A_728 = arith.constant 0 : i32
      %dma_start3A_729 = arith.constant 0 : i32
      %dma_start3A_730 = tpu.memref_slice %arg4[%select_n3A_722, %dma_start3A_728, %dma_start3A_729] : memref<4096x200x32xf32, #tpu.memory_space<hbm>> -> memref<1x200x32xf32, #tpu.memory_space<hbm>>
      %dma_start3A_731 = tpu.memref_squeeze %dma_start3A_730 : memref<1x200x32xf32, #tpu.memory_space<hbm>> -> memref<200x32xf32, #tpu.memory_space<hbm>>
      %dma_start3A_732 = arith.constant 0 : i32
      %dma_start3A_733 = arith.constant 0 : i32
      %dma_start3A_734 = tpu.memref_slice %arg4[%select_n3A_722, %dma_start3A_732, %dma_start3A_733] : memref<4096x200x32xf32, #tpu.memory_space<hbm>> -> memref<1x200x32xf32, #tpu.memory_space<hbm>>
      %dma_start3A_735 = tpu.memref_squeeze %dma_start3A_734 : memref<1x200x32xf32, #tpu.memory_space<hbm>> -> memref<200x32xf32, #tpu.memory_space<hbm>>
      %dma_start3A_736 = arith.constant 0 : i32
      %dma_start3A_737 = arith.constant 0 : i32
      %dma_start3A_738 = tpu.memref_slice %arg6[%dma_start3A_723, %dma_start3A_736, %dma_start3A_737] : memref<8x200x32xf32, #tpu.memory_space<vmem>> -> memref<1x200x32xf32, #tpu.memory_space<vmem>>
      %dma_start3A_739 = tpu.memref_squeeze %dma_start3A_738 : memref<1x200x32xf32, #tpu.memory_space<vmem>> -> memref<200x32xf32, #tpu.memory_space<vmem>>
      tpu.enqueue_dma source(%dma_start3A_739 : memref<200x32xf32, #tpu.memory_space<vmem>>) target(%dma_start3A_735 : memref<200x32xf32, #tpu.memory_space<hbm>>) target_semaphore(%arg20 : memref<!tpu.dma_semaphore, #tpu.memory_space<semaphore_mem>>)
      %add3A_740 = arith.constant 8 : i32
      %add3A_741 = arith.addi %add3A_684, %add3A_740 : i32
      %lt3A_742 = arith.constant 128 : i32
      %lt3A_743 = arith.cmpi slt, %add3A_741, %lt3A_742 : i32
      %convert_element_type3A_744 = arith.extui %lt3A_743 : i1 to i32
      %cond3A_745 = arith.constant 0 : i32
      %cond3A_746 = arith.cmpi ne, %convert_element_type3A_744, %cond3A_745 : i32
      scf.if %cond3A_746 {
        %mul3A_939 = arith.constant 200 : i32
        %mul3A_940 = arith.muli %add3A_684, %mul3A_939 : i32
        %add3A_941 = arith.addi %mul3A_2, %mul3A_940 : i32
        %jit3A_942 = arith.constant 200 : i32
        %div3A_943 = arith.divsi %add3A_941, %jit3A_942 : i32
        %sign3A_944 = arith.constant 0 : i32
        %sign3A_945 = arith.cmpi sgt, %add3A_941, %sign3A_944 : i32
        %sign3A_946 = arith.extui %sign3A_945 : i1 to i32
        %sign3A_947 = arith.constant 0 : i32
        %sign3A_948 = arith.cmpi slt, %add3A_941, %sign3A_947 : i32
        %sign3A_949 = arith.extui %sign3A_948 : i1 to i32
        %sign3A_950 = arith.subi %sign3A_946, %sign3A_949 : i32
        %sign3A_951 = arith.constant 0 : i32
        %sign3A_952 = arith.cmpi sgt, %jit3A_942, %sign3A_951 : i32
        %sign3A_953 = arith.extui %sign3A_952 : i1 to i32
        %sign3A_954 = arith.constant 0 : i32
        %sign3A_955 = arith.cmpi slt, %jit3A_942, %sign3A_954 : i32
        %sign3A_956 = arith.extui %sign3A_955 : i1 to i32
        %sign3A_957 = arith.subi %sign3A_953, %sign3A_956 : i32
        %ne3A_958 = arith.cmpi ne, %sign3A_950, %sign3A_957 : i32
        %rem3A_959 = arith.remsi %add3A_941, %jit3A_942 : i32
        %ne3A_960 = arith.constant 0 : i32
        %ne3A_961 = arith.cmpi ne, %rem3A_959, %ne3A_960 : i32
        %and3A_962 = arith.andi %ne3A_958, %ne3A_961 : i1
        %sub3A_963 = arith.constant 1 : i32
        %sub3A_964 = arith.subi %div3A_943, %sub3A_963 : i32
        %select_n3A_965 = arith.select %and3A_962, %sub3A_964, %div3A_943 : i32
        %dma_wait3A_966 = arith.constant 4 : i32
        %dma_wait3A_967 = arith.constant 0 : i32
        %dma_wait3A_968 = arith.constant 0 : i32
        %dma_wait3A_969 = tpu.memref_slice %arg6[%dma_wait3A_966, %dma_wait3A_967, %dma_wait3A_968] : memref<8x200x32xf32, #tpu.memory_space<vmem>> -> memref<1x200x32xf32, #tpu.memory_space<vmem>>
        %dma_wait3A_970 = tpu.memref_squeeze %dma_wait3A_969 : memref<1x200x32xf32, #tpu.memory_space<vmem>> -> memref<200x32xf32, #tpu.memory_space<vmem>>
        %dma_wait3A_971 = arith.constant 0 : i32
        %dma_wait3A_972 = arith.constant 0 : i32
        %dma_wait3A_973 = tpu.memref_slice %arg4[%select_n3A_965, %dma_wait3A_971, %dma_wait3A_972] : memref<4096x200x32xf32, #tpu.memory_space<hbm>> -> memref<1x200x32xf32, #tpu.memory_space<hbm>>
        %dma_wait3A_974 = tpu.memref_squeeze %dma_wait3A_973 : memref<1x200x32xf32, #tpu.memory_space<hbm>> -> memref<200x32xf32, #tpu.memory_space<hbm>>
        %dma_wait3A_975 = arith.constant 0 : i32
        %dma_wait3A_976 = arith.constant 0 : i32
        %dma_wait3A_977 = tpu.memref_slice %arg4[%select_n3A_965, %dma_wait3A_975, %dma_wait3A_976] : memref<4096x200x32xf32, #tpu.memory_space<hbm>> -> memref<1x200x32xf32, #tpu.memory_space<hbm>>
        %dma_wait3A_978 = tpu.memref_squeeze %dma_wait3A_977 : memref<1x200x32xf32, #tpu.memory_space<hbm>> -> memref<200x32xf32, #tpu.memory_space<hbm>>
        %dma_wait3A_979 = arith.constant 0 : i32
        %dma_wait3A_980 = arith.constant 0 : i32
        %dma_wait3A_981 = tpu.memref_slice %arg6[%dma_wait3A_966, %dma_wait3A_979, %dma_wait3A_980] : memref<8x200x32xf32, #tpu.memory_space<vmem>> -> memref<1x200x32xf32, #tpu.memory_space<vmem>>
        %dma_wait3A_982 = tpu.memref_squeeze %dma_wait3A_981 : memref<1x200x32xf32, #tpu.memory_space<vmem>> -> memref<200x32xf32, #tpu.memory_space<vmem>>
        tpu.wait_dma2 semaphore(%arg20 : memref<!tpu.dma_semaphore, #tpu.memory_space<semaphore_mem>>) src(%dma_wait3A_982 : memref<200x32xf32, #tpu.memory_space<vmem>>) dst(%dma_wait3A_978 : memref<200x32xf32, #tpu.memory_space<hbm>>)
        %mul3A_983 = arith.constant 200 : i32
        %mul3A_984 = arith.muli %add3A_741, %mul3A_983 : i32
        %dma_start3A_985 = arith.constant 4 : i32
        %dma_start3A_986 = arith.constant 0 : i32
        %dma_start3A_987 = arith.constant 0 : i32
        %dma_start3A_988 = tpu.memref_slice %arg6[%dma_start3A_985, %dma_start3A_986, %dma_start3A_987] : memref<8x200x32xf32, #tpu.memory_space<vmem>> -> memref<1x200x32xf32, #tpu.memory_space<vmem>>
        %dma_start3A_989 = tpu.memref_squeeze %dma_start3A_988 : memref<1x200x32xf32, #tpu.memory_space<vmem>> -> memref<200x32xf32, #tpu.memory_space<vmem>>
        %dma_start3A_990 = tpu.memref_slice %arg5[%mul3A_984] : memref<25600xi32, #tpu.memory_space<vmem>> -> memref<200xi32, #tpu.memory_space<vmem>>
        %dma_start3A_991 = arith.constant 0 : i32
        %dma_start3A_992 = arith.constant 0 : i32
        %dma_start3A_993 = tpu.memref_slice %arg2[%dma_start3A_991, %dma_start3A_992] : memref<1000000x32xf32, #tpu.memory_space<hbm>> -> memref<1000000x32xf32, #tpu.memory_space<hbm>>
        tpu.enqueue_indirect_dma source(%dma_start3A_993 : memref<1000000x32xf32, #tpu.memory_space<hbm>>) target(%dma_start3A_989 : memref<200x32xf32, #tpu.memory_space<vmem>>) offsets(%dma_start3A_990 : memref<200xi32, #tpu.memory_space<vmem>>) semaphore(%arg12 : memref<!tpu.dma_semaphore, #tpu.memory_space<semaphore_mem>>)
      } else {
      }
      %add3A_747 = arith.constant 5 : i32
      %add3A_748 = arith.addi %add3A_429, %add3A_747 : i32
      %mul3A_749 = arith.constant 200 : i32
      %mul3A_750 = arith.muli %add3A_748, %mul3A_749 : i32
      %dma_wait3A_751 = arith.constant 5 : i32
      %dma_wait3A_752 = arith.constant 0 : i32
      %dma_wait3A_753 = arith.constant 0 : i32
      %dma_wait3A_754 = tpu.memref_slice %arg6[%dma_wait3A_751, %dma_wait3A_752, %dma_wait3A_753] : memref<8x200x32xf32, #tpu.memory_space<vmem>> -> memref<1x200x32xf32, #tpu.memory_space<vmem>>
      %dma_wait3A_755 = tpu.memref_squeeze %dma_wait3A_754 : memref<1x200x32xf32, #tpu.memory_space<vmem>> -> memref<200x32xf32, #tpu.memory_space<vmem>>
      %dma_wait3A_756 = tpu.memref_slice %arg5[%mul3A_750] : memref<25600xi32, #tpu.memory_space<vmem>> -> memref<200xi32, #tpu.memory_space<vmem>>
      %dma_wait3A_757 = arith.constant 0 : i32
      %dma_wait3A_758 = arith.constant 0 : i32
      %dma_wait3A_759 = tpu.memref_slice %arg2[%dma_wait3A_757, %dma_wait3A_758] : memref<1000000x32xf32, #tpu.memory_space<hbm>> -> memref<1000000x32xf32, #tpu.memory_space<hbm>>
      tpu.wait_indirect_dma semaphore(%arg13 : memref<!tpu.dma_semaphore, #tpu.memory_space<semaphore_mem>>) src(%dma_wait3A_759 : memref<1000000x32xf32, #tpu.memory_space<hbm>>) dst(%dma_wait3A_755 : memref<200x32xf32, #tpu.memory_space<vmem>>)
      %mul3A_760 = arith.constant 200 : i32
      %mul3A_761 = arith.muli %add3A_748, %mul3A_760 : i32
      %add3A_762 = arith.addi %mul3A_2, %mul3A_761 : i32
      %jit3A_763 = arith.constant 200 : i32
      %div3A_764 = arith.divsi %add3A_762, %jit3A_763 : i32
      %sign3A_765 = arith.constant 0 : i32
      %sign3A_766 = arith.cmpi sgt, %add3A_762, %sign3A_765 : i32
      %sign3A_767 = arith.extui %sign3A_766 : i1 to i32
      %sign3A_768 = arith.constant 0 : i32
      %sign3A_769 = arith.cmpi slt, %add3A_762, %sign3A_768 : i32
      %sign3A_770 = arith.extui %sign3A_769 : i1 to i32
      %sign3A_771 = arith.subi %sign3A_767, %sign3A_770 : i32
      %sign3A_772 = arith.constant 0 : i32
      %sign3A_773 = arith.cmpi sgt, %jit3A_763, %sign3A_772 : i32
      %sign3A_774 = arith.extui %sign3A_773 : i1 to i32
      %sign3A_775 = arith.constant 0 : i32
      %sign3A_776 = arith.cmpi slt, %jit3A_763, %sign3A_775 : i32
      %sign3A_777 = arith.extui %sign3A_776 : i1 to i32
      %sign3A_778 = arith.subi %sign3A_774, %sign3A_777 : i32
      %ne3A_779 = arith.cmpi ne, %sign3A_771, %sign3A_778 : i32
      %rem3A_780 = arith.remsi %add3A_762, %jit3A_763 : i32
      %ne3A_781 = arith.constant 0 : i32
      %ne3A_782 = arith.cmpi ne, %rem3A_780, %ne3A_781 : i32
      %and3A_783 = arith.andi %ne3A_779, %ne3A_782 : i1
      %sub3A_784 = arith.constant 1 : i32
      %sub3A_785 = arith.subi %div3A_764, %sub3A_784 : i32
      %select_n3A_786 = arith.select %and3A_783, %sub3A_785, %div3A_764 : i32
      %dma_start3A_787 = arith.constant 5 : i32
      %dma_start3A_788 = arith.constant 0 : i32
      %dma_start3A_789 = arith.constant 0 : i32
      %dma_start3A_790 = tpu.memref_slice %arg6[%dma_start3A_787, %dma_start3A_788, %dma_start3A_789] : memref<8x200x32xf32, #tpu.memory_space<vmem>> -> memref<1x200x32xf32, #tpu.memory_space<vmem>>
      %dma_start3A_791 = tpu.memref_squeeze %dma_start3A_790 : memref<1x200x32xf32, #tpu.memory_space<vmem>> -> memref<200x32xf32, #tpu.memory_space<vmem>>
      %dma_start3A_792 = arith.constant 0 : i32
      %dma_start3A_793 = arith.constant 0 : i32
      %dma_start3A_794 = tpu.memref_slice %arg4[%select_n3A_786, %dma_start3A_792, %dma_start3A_793] : memref<4096x200x32xf32, #tpu.memory_space<hbm>> -> memref<1x200x32xf32, #tpu.memory_space<hbm>>
      %dma_start3A_795 = tpu.memref_squeeze %dma_start3A_794 : memref<1x200x32xf32, #tpu.memory_space<hbm>> -> memref<200x32xf32, #tpu.memory_space<hbm>>
      %dma_start3A_796 = arith.constant 0 : i32
      %dma_start3A_797 = arith.constant 0 : i32
      %dma_start3A_798 = tpu.memref_slice %arg4[%select_n3A_786, %dma_start3A_796, %dma_start3A_797] : memref<4096x200x32xf32, #tpu.memory_space<hbm>> -> memref<1x200x32xf32, #tpu.memory_space<hbm>>
      %dma_start3A_799 = tpu.memref_squeeze %dma_start3A_798 : memref<1x200x32xf32, #tpu.memory_space<hbm>> -> memref<200x32xf32, #tpu.memory_space<hbm>>
      %dma_start3A_800 = arith.constant 0 : i32
      %dma_start3A_801 = arith.constant 0 : i32
      %dma_start3A_802 = tpu.memref_slice %arg6[%dma_start3A_787, %dma_start3A_800, %dma_start3A_801] : memref<8x200x32xf32, #tpu.memory_space<vmem>> -> memref<1x200x32xf32, #tpu.memory_space<vmem>>
      %dma_start3A_803 = tpu.memref_squeeze %dma_start3A_802 : memref<1x200x32xf32, #tpu.memory_space<vmem>> -> memref<200x32xf32, #tpu.memory_space<vmem>>
      tpu.enqueue_dma source(%dma_start3A_803 : memref<200x32xf32, #tpu.memory_space<vmem>>) target(%dma_start3A_799 : memref<200x32xf32, #tpu.memory_space<hbm>>) target_semaphore(%arg21 : memref<!tpu.dma_semaphore, #tpu.memory_space<semaphore_mem>>)
      %add3A_804 = arith.constant 8 : i32
      %add3A_805 = arith.addi %add3A_748, %add3A_804 : i32
      %lt3A_806 = arith.constant 128 : i32
      %lt3A_807 = arith.cmpi slt, %add3A_805, %lt3A_806 : i32
      %convert_element_type3A_808 = arith.extui %lt3A_807 : i1 to i32
      %cond3A_809 = arith.constant 0 : i32
      %cond3A_810 = arith.cmpi ne, %convert_element_type3A_808, %cond3A_809 : i32
      scf.if %cond3A_810 {
        %mul3A_939 = arith.constant 200 : i32
        %mul3A_940 = arith.muli %add3A_748, %mul3A_939 : i32
        %add3A_941 = arith.addi %mul3A_2, %mul3A_940 : i32
        %jit3A_942 = arith.constant 200 : i32
        %div3A_943 = arith.divsi %add3A_941, %jit3A_942 : i32
        %sign3A_944 = arith.constant 0 : i32
        %sign3A_945 = arith.cmpi sgt, %add3A_941, %sign3A_944 : i32
        %sign3A_946 = arith.extui %sign3A_945 : i1 to i32
        %sign3A_947 = arith.constant 0 : i32
        %sign3A_948 = arith.cmpi slt, %add3A_941, %sign3A_947 : i32
        %sign3A_949 = arith.extui %sign3A_948 : i1 to i32
        %sign3A_950 = arith.subi %sign3A_946, %sign3A_949 : i32
        %sign3A_951 = arith.constant 0 : i32
        %sign3A_952 = arith.cmpi sgt, %jit3A_942, %sign3A_951 : i32
        %sign3A_953 = arith.extui %sign3A_952 : i1 to i32
        %sign3A_954 = arith.constant 0 : i32
        %sign3A_955 = arith.cmpi slt, %jit3A_942, %sign3A_954 : i32
        %sign3A_956 = arith.extui %sign3A_955 : i1 to i32
        %sign3A_957 = arith.subi %sign3A_953, %sign3A_956 : i32
        %ne3A_958 = arith.cmpi ne, %sign3A_950, %sign3A_957 : i32
        %rem3A_959 = arith.remsi %add3A_941, %jit3A_942 : i32
        %ne3A_960 = arith.constant 0 : i32
        %ne3A_961 = arith.cmpi ne, %rem3A_959, %ne3A_960 : i32
        %and3A_962 = arith.andi %ne3A_958, %ne3A_961 : i1
        %sub3A_963 = arith.constant 1 : i32
        %sub3A_964 = arith.subi %div3A_943, %sub3A_963 : i32
        %select_n3A_965 = arith.select %and3A_962, %sub3A_964, %div3A_943 : i32
        %dma_wait3A_966 = arith.constant 5 : i32
        %dma_wait3A_967 = arith.constant 0 : i32
        %dma_wait3A_968 = arith.constant 0 : i32
        %dma_wait3A_969 = tpu.memref_slice %arg6[%dma_wait3A_966, %dma_wait3A_967, %dma_wait3A_968] : memref<8x200x32xf32, #tpu.memory_space<vmem>> -> memref<1x200x32xf32, #tpu.memory_space<vmem>>
        %dma_wait3A_970 = tpu.memref_squeeze %dma_wait3A_969 : memref<1x200x32xf32, #tpu.memory_space<vmem>> -> memref<200x32xf32, #tpu.memory_space<vmem>>
        %dma_wait3A_971 = arith.constant 0 : i32
        %dma_wait3A_972 = arith.constant 0 : i32
        %dma_wait3A_973 = tpu.memref_slice %arg4[%select_n3A_965, %dma_wait3A_971, %dma_wait3A_972] : memref<4096x200x32xf32, #tpu.memory_space<hbm>> -> memref<1x200x32xf32, #tpu.memory_space<hbm>>
        %dma_wait3A_974 = tpu.memref_squeeze %dma_wait3A_973 : memref<1x200x32xf32, #tpu.memory_space<hbm>> -> memref<200x32xf32, #tpu.memory_space<hbm>>
        %dma_wait3A_975 = arith.constant 0 : i32
        %dma_wait3A_976 = arith.constant 0 : i32
        %dma_wait3A_977 = tpu.memref_slice %arg4[%select_n3A_965, %dma_wait3A_975, %dma_wait3A_976] : memref<4096x200x32xf32, #tpu.memory_space<hbm>> -> memref<1x200x32xf32, #tpu.memory_space<hbm>>
        %dma_wait3A_978 = tpu.memref_squeeze %dma_wait3A_977 : memref<1x200x32xf32, #tpu.memory_space<hbm>> -> memref<200x32xf32, #tpu.memory_space<hbm>>
        %dma_wait3A_979 = arith.constant 0 : i32
        %dma_wait3A_980 = arith.constant 0 : i32
        %dma_wait3A_981 = tpu.memref_slice %arg6[%dma_wait3A_966, %dma_wait3A_979, %dma_wait3A_980] : memref<8x200x32xf32, #tpu.memory_space<vmem>> -> memref<1x200x32xf32, #tpu.memory_space<vmem>>
        %dma_wait3A_982 = tpu.memref_squeeze %dma_wait3A_981 : memref<1x200x32xf32, #tpu.memory_space<vmem>> -> memref<200x32xf32, #tpu.memory_space<vmem>>
        tpu.wait_dma2 semaphore(%arg21 : memref<!tpu.dma_semaphore, #tpu.memory_space<semaphore_mem>>) src(%dma_wait3A_982 : memref<200x32xf32, #tpu.memory_space<vmem>>) dst(%dma_wait3A_978 : memref<200x32xf32, #tpu.memory_space<hbm>>)
        %mul3A_983 = arith.constant 200 : i32
        %mul3A_984 = arith.muli %add3A_805, %mul3A_983 : i32
        %dma_start3A_985 = arith.constant 5 : i32
        %dma_start3A_986 = arith.constant 0 : i32
        %dma_start3A_987 = arith.constant 0 : i32
        %dma_start3A_988 = tpu.memref_slice %arg6[%dma_start3A_985, %dma_start3A_986, %dma_start3A_987] : memref<8x200x32xf32, #tpu.memory_space<vmem>> -> memref<1x200x32xf32, #tpu.memory_space<vmem>>
        %dma_start3A_989 = tpu.memref_squeeze %dma_start3A_988 : memref<1x200x32xf32, #tpu.memory_space<vmem>> -> memref<200x32xf32, #tpu.memory_space<vmem>>
        %dma_start3A_990 = tpu.memref_slice %arg5[%mul3A_984] : memref<25600xi32, #tpu.memory_space<vmem>> -> memref<200xi32, #tpu.memory_space<vmem>>
        %dma_start3A_991 = arith.constant 0 : i32
        %dma_start3A_992 = arith.constant 0 : i32
        %dma_start3A_993 = tpu.memref_slice %arg2[%dma_start3A_991, %dma_start3A_992] : memref<1000000x32xf32, #tpu.memory_space<hbm>> -> memref<1000000x32xf32, #tpu.memory_space<hbm>>
        tpu.enqueue_indirect_dma source(%dma_start3A_993 : memref<1000000x32xf32, #tpu.memory_space<hbm>>) target(%dma_start3A_989 : memref<200x32xf32, #tpu.memory_space<vmem>>) offsets(%dma_start3A_990 : memref<200xi32, #tpu.memory_space<vmem>>) semaphore(%arg13 : memref<!tpu.dma_semaphore, #tpu.memory_space<semaphore_mem>>)
      } else {
      }
      %add3A_811 = arith.constant 6 : i32
      %add3A_812 = arith.addi %add3A_429, %add3A_811 : i32
      %mul3A_813 = arith.constant 200 : i32
      %mul3A_814 = arith.muli %add3A_812, %mul3A_813 : i32
      %dma_wait3A_815 = arith.constant 6 : i32
      %dma_wait3A_816 = arith.constant 0 : i32
      %dma_wait3A_817 = arith.constant 0 : i32
      %dma_wait3A_818 = tpu.memref_slice %arg6[%dma_wait3A_815, %dma_wait3A_816, %dma_wait3A_817] : memref<8x200x32xf32, #tpu.memory_space<vmem>> -> memref<1x200x32xf32, #tpu.memory_space<vmem>>
      %dma_wait3A_819 = tpu.memref_squeeze %dma_wait3A_818 : memref<1x200x32xf32, #tpu.memory_space<vmem>> -> memref<200x32xf32, #tpu.memory_space<vmem>>
      %dma_wait3A_820 = tpu.memref_slice %arg5[%mul3A_814] : memref<25600xi32, #tpu.memory_space<vmem>> -> memref<200xi32, #tpu.memory_space<vmem>>
      %dma_wait3A_821 = arith.constant 0 : i32
      %dma_wait3A_822 = arith.constant 0 : i32
      %dma_wait3A_823 = tpu.memref_slice %arg2[%dma_wait3A_821, %dma_wait3A_822] : memref<1000000x32xf32, #tpu.memory_space<hbm>> -> memref<1000000x32xf32, #tpu.memory_space<hbm>>
      tpu.wait_indirect_dma semaphore(%arg14 : memref<!tpu.dma_semaphore, #tpu.memory_space<semaphore_mem>>) src(%dma_wait3A_823 : memref<1000000x32xf32, #tpu.memory_space<hbm>>) dst(%dma_wait3A_819 : memref<200x32xf32, #tpu.memory_space<vmem>>)
      %mul3A_824 = arith.constant 200 : i32
      %mul3A_825 = arith.muli %add3A_812, %mul3A_824 : i32
      %add3A_826 = arith.addi %mul3A_2, %mul3A_825 : i32
      %jit3A_827 = arith.constant 200 : i32
      %div3A_828 = arith.divsi %add3A_826, %jit3A_827 : i32
      %sign3A_829 = arith.constant 0 : i32
      %sign3A_830 = arith.cmpi sgt, %add3A_826, %sign3A_829 : i32
      %sign3A_831 = arith.extui %sign3A_830 : i1 to i32
      %sign3A_832 = arith.constant 0 : i32
      %sign3A_833 = arith.cmpi slt, %add3A_826, %sign3A_832 : i32
      %sign3A_834 = arith.extui %sign3A_833 : i1 to i32
      %sign3A_835 = arith.subi %sign3A_831, %sign3A_834 : i32
      %sign3A_836 = arith.constant 0 : i32
      %sign3A_837 = arith.cmpi sgt, %jit3A_827, %sign3A_836 : i32
      %sign3A_838 = arith.extui %sign3A_837 : i1 to i32
      %sign3A_839 = arith.constant 0 : i32
      %sign3A_840 = arith.cmpi slt, %jit3A_827, %sign3A_839 : i32
      %sign3A_841 = arith.extui %sign3A_840 : i1 to i32
      %sign3A_842 = arith.subi %sign3A_838, %sign3A_841 : i32
      %ne3A_843 = arith.cmpi ne, %sign3A_835, %sign3A_842 : i32
      %rem3A_844 = arith.remsi %add3A_826, %jit3A_827 : i32
      %ne3A_845 = arith.constant 0 : i32
      %ne3A_846 = arith.cmpi ne, %rem3A_844, %ne3A_845 : i32
      %and3A_847 = arith.andi %ne3A_843, %ne3A_846 : i1
      %sub3A_848 = arith.constant 1 : i32
      %sub3A_849 = arith.subi %div3A_828, %sub3A_848 : i32
      %select_n3A_850 = arith.select %and3A_847, %sub3A_849, %div3A_828 : i32
      %dma_start3A_851 = arith.constant 6 : i32
      %dma_start3A_852 = arith.constant 0 : i32
      %dma_start3A_853 = arith.constant 0 : i32
      %dma_start3A_854 = tpu.memref_slice %arg6[%dma_start3A_851, %dma_start3A_852, %dma_start3A_853] : memref<8x200x32xf32, #tpu.memory_space<vmem>> -> memref<1x200x32xf32, #tpu.memory_space<vmem>>
      %dma_start3A_855 = tpu.memref_squeeze %dma_start3A_854 : memref<1x200x32xf32, #tpu.memory_space<vmem>> -> memref<200x32xf32, #tpu.memory_space<vmem>>
      %dma_start3A_856 = arith.constant 0 : i32
      %dma_start3A_857 = arith.constant 0 : i32
      %dma_start3A_858 = tpu.memref_slice %arg4[%select_n3A_850, %dma_start3A_856, %dma_start3A_857] : memref<4096x200x32xf32, #tpu.memory_space<hbm>> -> memref<1x200x32xf32, #tpu.memory_space<hbm>>
      %dma_start3A_859 = tpu.memref_squeeze %dma_start3A_858 : memref<1x200x32xf32, #tpu.memory_space<hbm>> -> memref<200x32xf32, #tpu.memory_space<hbm>>
      %dma_start3A_860 = arith.constant 0 : i32
      %dma_start3A_861 = arith.constant 0 : i32
      %dma_start3A_862 = tpu.memref_slice %arg4[%select_n3A_850, %dma_start3A_860, %dma_start3A_861] : memref<4096x200x32xf32, #tpu.memory_space<hbm>> -> memref<1x200x32xf32, #tpu.memory_space<hbm>>
      %dma_start3A_863 = tpu.memref_squeeze %dma_start3A_862 : memref<1x200x32xf32, #tpu.memory_space<hbm>> -> memref<200x32xf32, #tpu.memory_space<hbm>>
      %dma_start3A_864 = arith.constant 0 : i32
      %dma_start3A_865 = arith.constant 0 : i32
      %dma_start3A_866 = tpu.memref_slice %arg6[%dma_start3A_851, %dma_start3A_864, %dma_start3A_865] : memref<8x200x32xf32, #tpu.memory_space<vmem>> -> memref<1x200x32xf32, #tpu.memory_space<vmem>>
      %dma_start3A_867 = tpu.memref_squeeze %dma_start3A_866 : memref<1x200x32xf32, #tpu.memory_space<vmem>> -> memref<200x32xf32, #tpu.memory_space<vmem>>
      tpu.enqueue_dma source(%dma_start3A_867 : memref<200x32xf32, #tpu.memory_space<vmem>>) target(%dma_start3A_863 : memref<200x32xf32, #tpu.memory_space<hbm>>) target_semaphore(%arg22 : memref<!tpu.dma_semaphore, #tpu.memory_space<semaphore_mem>>)
      %add3A_868 = arith.constant 8 : i32
      %add3A_869 = arith.addi %add3A_812, %add3A_868 : i32
      %lt3A_870 = arith.constant 128 : i32
      %lt3A_871 = arith.cmpi slt, %add3A_869, %lt3A_870 : i32
      %convert_element_type3A_872 = arith.extui %lt3A_871 : i1 to i32
      %cond3A_873 = arith.constant 0 : i32
      %cond3A_874 = arith.cmpi ne, %convert_element_type3A_872, %cond3A_873 : i32
      scf.if %cond3A_874 {
        %mul3A_939 = arith.constant 200 : i32
        %mul3A_940 = arith.muli %add3A_812, %mul3A_939 : i32
        %add3A_941 = arith.addi %mul3A_2, %mul3A_940 : i32
        %jit3A_942 = arith.constant 200 : i32
        %div3A_943 = arith.divsi %add3A_941, %jit3A_942 : i32
        %sign3A_944 = arith.constant 0 : i32
        %sign3A_945 = arith.cmpi sgt, %add3A_941, %sign3A_944 : i32
        %sign3A_946 = arith.extui %sign3A_945 : i1 to i32
        %sign3A_947 = arith.constant 0 : i32
        %sign3A_948 = arith.cmpi slt, %add3A_941, %sign3A_947 : i32
        %sign3A_949 = arith.extui %sign3A_948 : i1 to i32
        %sign3A_950 = arith.subi %sign3A_946, %sign3A_949 : i32
        %sign3A_951 = arith.constant 0 : i32
        %sign3A_952 = arith.cmpi sgt, %jit3A_942, %sign3A_951 : i32
        %sign3A_953 = arith.extui %sign3A_952 : i1 to i32
        %sign3A_954 = arith.constant 0 : i32
        %sign3A_955 = arith.cmpi slt, %jit3A_942, %sign3A_954 : i32
        %sign3A_956 = arith.extui %sign3A_955 : i1 to i32
        %sign3A_957 = arith.subi %sign3A_953, %sign3A_956 : i32
        %ne3A_958 = arith.cmpi ne, %sign3A_950, %sign3A_957 : i32
        %rem3A_959 = arith.remsi %add3A_941, %jit3A_942 : i32
        %ne3A_960 = arith.constant 0 : i32
        %ne3A_961 = arith.cmpi ne, %rem3A_959, %ne3A_960 : i32
        %and3A_962 = arith.andi %ne3A_958, %ne3A_961 : i1
        %sub3A_963 = arith.constant 1 : i32
        %sub3A_964 = arith.subi %div3A_943, %sub3A_963 : i32
        %select_n3A_965 = arith.select %and3A_962, %sub3A_964, %div3A_943 : i32
        %dma_wait3A_966 = arith.constant 6 : i32
        %dma_wait3A_967 = arith.constant 0 : i32
        %dma_wait3A_968 = arith.constant 0 : i32
        %dma_wait3A_969 = tpu.memref_slice %arg6[%dma_wait3A_966, %dma_wait3A_967, %dma_wait3A_968] : memref<8x200x32xf32, #tpu.memory_space<vmem>> -> memref<1x200x32xf32, #tpu.memory_space<vmem>>
        %dma_wait3A_970 = tpu.memref_squeeze %dma_wait3A_969 : memref<1x200x32xf32, #tpu.memory_space<vmem>> -> memref<200x32xf32, #tpu.memory_space<vmem>>
        %dma_wait3A_971 = arith.constant 0 : i32
        %dma_wait3A_972 = arith.constant 0 : i32
        %dma_wait3A_973 = tpu.memref_slice %arg4[%select_n3A_965, %dma_wait3A_971, %dma_wait3A_972] : memref<4096x200x32xf32, #tpu.memory_space<hbm>> -> memref<1x200x32xf32, #tpu.memory_space<hbm>>
        %dma_wait3A_974 = tpu.memref_squeeze %dma_wait3A_973 : memref<1x200x32xf32, #tpu.memory_space<hbm>> -> memref<200x32xf32, #tpu.memory_space<hbm>>
        %dma_wait3A_975 = arith.constant 0 : i32
        %dma_wait3A_976 = arith.constant 0 : i32
        %dma_wait3A_977 = tpu.memref_slice %arg4[%select_n3A_965, %dma_wait3A_975, %dma_wait3A_976] : memref<4096x200x32xf32, #tpu.memory_space<hbm>> -> memref<1x200x32xf32, #tpu.memory_space<hbm>>
        %dma_wait3A_978 = tpu.memref_squeeze %dma_wait3A_977 : memref<1x200x32xf32, #tpu.memory_space<hbm>> -> memref<200x32xf32, #tpu.memory_space<hbm>>
        %dma_wait3A_979 = arith.constant 0 : i32
        %dma_wait3A_980 = arith.constant 0 : i32
        %dma_wait3A_981 = tpu.memref_slice %arg6[%dma_wait3A_966, %dma_wait3A_979, %dma_wait3A_980] : memref<8x200x32xf32, #tpu.memory_space<vmem>> -> memref<1x200x32xf32, #tpu.memory_space<vmem>>
        %dma_wait3A_982 = tpu.memref_squeeze %dma_wait3A_981 : memref<1x200x32xf32, #tpu.memory_space<vmem>> -> memref<200x32xf32, #tpu.memory_space<vmem>>
        tpu.wait_dma2 semaphore(%arg22 : memref<!tpu.dma_semaphore, #tpu.memory_space<semaphore_mem>>) src(%dma_wait3A_982 : memref<200x32xf32, #tpu.memory_space<vmem>>) dst(%dma_wait3A_978 : memref<200x32xf32, #tpu.memory_space<hbm>>)
        %mul3A_983 = arith.constant 200 : i32
        %mul3A_984 = arith.muli %add3A_869, %mul3A_983 : i32
        %dma_start3A_985 = arith.constant 6 : i32
        %dma_start3A_986 = arith.constant 0 : i32
        %dma_start3A_987 = arith.constant 0 : i32
        %dma_start3A_988 = tpu.memref_slice %arg6[%dma_start3A_985, %dma_start3A_986, %dma_start3A_987] : memref<8x200x32xf32, #tpu.memory_space<vmem>> -> memref<1x200x32xf32, #tpu.memory_space<vmem>>
        %dma_start3A_989 = tpu.memref_squeeze %dma_start3A_988 : memref<1x200x32xf32, #tpu.memory_space<vmem>> -> memref<200x32xf32, #tpu.memory_space<vmem>>
        %dma_start3A_990 = tpu.memref_slice %arg5[%mul3A_984] : memref<25600xi32, #tpu.memory_space<vmem>> -> memref<200xi32, #tpu.memory_space<vmem>>
        %dma_start3A_991 = arith.constant 0 : i32
        %dma_start3A_992 = arith.constant 0 : i32
        %dma_start3A_993 = tpu.memref_slice %arg2[%dma_start3A_991, %dma_start3A_992] : memref<1000000x32xf32, #tpu.memory_space<hbm>> -> memref<1000000x32xf32, #tpu.memory_space<hbm>>
        tpu.enqueue_indirect_dma source(%dma_start3A_993 : memref<1000000x32xf32, #tpu.memory_space<hbm>>) target(%dma_start3A_989 : memref<200x32xf32, #tpu.memory_space<vmem>>) offsets(%dma_start3A_990 : memref<200xi32, #tpu.memory_space<vmem>>) semaphore(%arg14 : memref<!tpu.dma_semaphore, #tpu.memory_space<semaphore_mem>>)
      } else {
      }
      %add3A_875 = arith.constant 7 : i32
      %add3A_876 = arith.addi %add3A_429, %add3A_875 : i32
      %mul3A_877 = arith.constant 200 : i32
      %mul3A_878 = arith.muli %add3A_876, %mul3A_877 : i32
      %dma_wait3A_879 = arith.constant 7 : i32
      %dma_wait3A_880 = arith.constant 0 : i32
      %dma_wait3A_881 = arith.constant 0 : i32
      %dma_wait3A_882 = tpu.memref_slice %arg6[%dma_wait3A_879, %dma_wait3A_880, %dma_wait3A_881] : memref<8x200x32xf32, #tpu.memory_space<vmem>> -> memref<1x200x32xf32, #tpu.memory_space<vmem>>
      %dma_wait3A_883 = tpu.memref_squeeze %dma_wait3A_882 : memref<1x200x32xf32, #tpu.memory_space<vmem>> -> memref<200x32xf32, #tpu.memory_space<vmem>>
      %dma_wait3A_884 = tpu.memref_slice %arg5[%mul3A_878] : memref<25600xi32, #tpu.memory_space<vmem>> -> memref<200xi32, #tpu.memory_space<vmem>>
      %dma_wait3A_885 = arith.constant 0 : i32
      %dma_wait3A_886 = arith.constant 0 : i32
      %dma_wait3A_887 = tpu.memref_slice %arg2[%dma_wait3A_885, %dma_wait3A_886] : memref<1000000x32xf32, #tpu.memory_space<hbm>> -> memref<1000000x32xf32, #tpu.memory_space<hbm>>
      tpu.wait_indirect_dma semaphore(%arg15 : memref<!tpu.dma_semaphore, #tpu.memory_space<semaphore_mem>>) src(%dma_wait3A_887 : memref<1000000x32xf32, #tpu.memory_space<hbm>>) dst(%dma_wait3A_883 : memref<200x32xf32, #tpu.memory_space<vmem>>)
      %mul3A_888 = arith.constant 200 : i32
      %mul3A_889 = arith.muli %add3A_876, %mul3A_888 : i32
      %add3A_890 = arith.addi %mul3A_2, %mul3A_889 : i32
      %jit3A_891 = arith.constant 200 : i32
      %div3A_892 = arith.divsi %add3A_890, %jit3A_891 : i32
      %sign3A_893 = arith.constant 0 : i32
      %sign3A_894 = arith.cmpi sgt, %add3A_890, %sign3A_893 : i32
      %sign3A_895 = arith.extui %sign3A_894 : i1 to i32
      %sign3A_896 = arith.constant 0 : i32
      %sign3A_897 = arith.cmpi slt, %add3A_890, %sign3A_896 : i32
      %sign3A_898 = arith.extui %sign3A_897 : i1 to i32
      %sign3A_899 = arith.subi %sign3A_895, %sign3A_898 : i32
      %sign3A_900 = arith.constant 0 : i32
      %sign3A_901 = arith.cmpi sgt, %jit3A_891, %sign3A_900 : i32
      %sign3A_902 = arith.extui %sign3A_901 : i1 to i32
      %sign3A_903 = arith.constant 0 : i32
      %sign3A_904 = arith.cmpi slt, %jit3A_891, %sign3A_903 : i32
      %sign3A_905 = arith.extui %sign3A_904 : i1 to i32
      %sign3A_906 = arith.subi %sign3A_902, %sign3A_905 : i32
      %ne3A_907 = arith.cmpi ne, %sign3A_899, %sign3A_906 : i32
      %rem3A_908 = arith.remsi %add3A_890, %jit3A_891 : i32
      %ne3A_909 = arith.constant 0 : i32
      %ne3A_910 = arith.cmpi ne, %rem3A_908, %ne3A_909 : i32
      %and3A_911 = arith.andi %ne3A_907, %ne3A_910 : i1
      %sub3A_912 = arith.constant 1 : i32
      %sub3A_913 = arith.subi %div3A_892, %sub3A_912 : i32
      %select_n3A_914 = arith.select %and3A_911, %sub3A_913, %div3A_892 : i32
      %dma_start3A_915 = arith.constant 7 : i32
      %dma_start3A_916 = arith.constant 0 : i32
      %dma_start3A_917 = arith.constant 0 : i32
      %dma_start3A_918 = tpu.memref_slice %arg6[%dma_start3A_915, %dma_start3A_916, %dma_start3A_917] : memref<8x200x32xf32, #tpu.memory_space<vmem>> -> memref<1x200x32xf32, #tpu.memory_space<vmem>>
      %dma_start3A_919 = tpu.memref_squeeze %dma_start3A_918 : memref<1x200x32xf32, #tpu.memory_space<vmem>> -> memref<200x32xf32, #tpu.memory_space<vmem>>
      %dma_start3A_920 = arith.constant 0 : i32
      %dma_start3A_921 = arith.constant 0 : i32
      %dma_start3A_922 = tpu.memref_slice %arg4[%select_n3A_914, %dma_start3A_920, %dma_start3A_921] : memref<4096x200x32xf32, #tpu.memory_space<hbm>> -> memref<1x200x32xf32, #tpu.memory_space<hbm>>
      %dma_start3A_923 = tpu.memref_squeeze %dma_start3A_922 : memref<1x200x32xf32, #tpu.memory_space<hbm>> -> memref<200x32xf32, #tpu.memory_space<hbm>>
      %dma_start3A_924 = arith.constant 0 : i32
      %dma_start3A_925 = arith.constant 0 : i32
      %dma_start3A_926 = tpu.memref_slice %arg4[%select_n3A_914, %dma_start3A_924, %dma_start3A_925] : memref<4096x200x32xf32, #tpu.memory_space<hbm>> -> memref<1x200x32xf32, #tpu.memory_space<hbm>>
      %dma_start3A_927 = tpu.memref_squeeze %dma_start3A_926 : memref<1x200x32xf32, #tpu.memory_space<hbm>> -> memref<200x32xf32, #tpu.memory_space<hbm>>
      %dma_start3A_928 = arith.constant 0 : i32
      %dma_start3A_929 = arith.constant 0 : i32
      %dma_start3A_930 = tpu.memref_slice %arg6[%dma_start3A_915, %dma_start3A_928, %dma_start3A_929] : memref<8x200x32xf32, #tpu.memory_space<vmem>> -> memref<1x200x32xf32, #tpu.memory_space<vmem>>
      %dma_start3A_931 = tpu.memref_squeeze %dma_start3A_930 : memref<1x200x32xf32, #tpu.memory_space<vmem>> -> memref<200x32xf32, #tpu.memory_space<vmem>>
      tpu.enqueue_dma source(%dma_start3A_931 : memref<200x32xf32, #tpu.memory_space<vmem>>) target(%dma_start3A_927 : memref<200x32xf32, #tpu.memory_space<hbm>>) target_semaphore(%arg23 : memref<!tpu.dma_semaphore, #tpu.memory_space<semaphore_mem>>)
      %add3A_932 = arith.constant 8 : i32
      %add3A_933 = arith.addi %add3A_876, %add3A_932 : i32
      %lt3A_934 = arith.constant 128 : i32
      %lt3A_935 = arith.cmpi slt, %add3A_933, %lt3A_934 : i32
      %convert_element_type3A_936 = arith.extui %lt3A_935 : i1 to i32
      %cond3A_937 = arith.constant 0 : i32
      %cond3A_938 = arith.cmpi ne, %convert_element_type3A_936, %cond3A_937 : i32
      scf.if %cond3A_938 {
        %mul3A_939 = arith.constant 200 : i32
        %mul3A_940 = arith.muli %add3A_876, %mul3A_939 : i32
        %add3A_941 = arith.addi %mul3A_2, %mul3A_940 : i32
        %jit3A_942 = arith.constant 200 : i32
        %div3A_943 = arith.divsi %add3A_941, %jit3A_942 : i32
        %sign3A_944 = arith.constant 0 : i32
        %sign3A_945 = arith.cmpi sgt, %add3A_941, %sign3A_944 : i32
        %sign3A_946 = arith.extui %sign3A_945 : i1 to i32
        %sign3A_947 = arith.constant 0 : i32
        %sign3A_948 = arith.cmpi slt, %add3A_941, %sign3A_947 : i32
        %sign3A_949 = arith.extui %sign3A_948 : i1 to i32
        %sign3A_950 = arith.subi %sign3A_946, %sign3A_949 : i32
        %sign3A_951 = arith.constant 0 : i32
        %sign3A_952 = arith.cmpi sgt, %jit3A_942, %sign3A_951 : i32
        %sign3A_953 = arith.extui %sign3A_952 : i1 to i32
        %sign3A_954 = arith.constant 0 : i32
        %sign3A_955 = arith.cmpi slt, %jit3A_942, %sign3A_954 : i32
        %sign3A_956 = arith.extui %sign3A_955 : i1 to i32
        %sign3A_957 = arith.subi %sign3A_953, %sign3A_956 : i32
        %ne3A_958 = arith.cmpi ne, %sign3A_950, %sign3A_957 : i32
        %rem3A_959 = arith.remsi %add3A_941, %jit3A_942 : i32
        %ne3A_960 = arith.constant 0 : i32
        %ne3A_961 = arith.cmpi ne, %rem3A_959, %ne3A_960 : i32
        %and3A_962 = arith.andi %ne3A_958, %ne3A_961 : i1
        %sub3A_963 = arith.constant 1 : i32
        %sub3A_964 = arith.subi %div3A_943, %sub3A_963 : i32
        %select_n3A_965 = arith.select %and3A_962, %sub3A_964, %div3A_943 : i32
        %dma_wait3A_966 = arith.constant 7 : i32
        %dma_wait3A_967 = arith.constant 0 : i32
        %dma_wait3A_968 = arith.constant 0 : i32
        %dma_wait3A_969 = tpu.memref_slice %arg6[%dma_wait3A_966, %dma_wait3A_967, %dma_wait3A_968] : memref<8x200x32xf32, #tpu.memory_space<vmem>> -> memref<1x200x32xf32, #tpu.memory_space<vmem>>
        %dma_wait3A_970 = tpu.memref_squeeze %dma_wait3A_969 : memref<1x200x32xf32, #tpu.memory_space<vmem>> -> memref<200x32xf32, #tpu.memory_space<vmem>>
        %dma_wait3A_971 = arith.constant 0 : i32
        %dma_wait3A_972 = arith.constant 0 : i32
        %dma_wait3A_973 = tpu.memref_slice %arg4[%select_n3A_965, %dma_wait3A_971, %dma_wait3A_972] : memref<4096x200x32xf32, #tpu.memory_space<hbm>> -> memref<1x200x32xf32, #tpu.memory_space<hbm>>
        %dma_wait3A_974 = tpu.memref_squeeze %dma_wait3A_973 : memref<1x200x32xf32, #tpu.memory_space<hbm>> -> memref<200x32xf32, #tpu.memory_space<hbm>>
        %dma_wait3A_975 = arith.constant 0 : i32
        %dma_wait3A_976 = arith.constant 0 : i32
        %dma_wait3A_977 = tpu.memref_slice %arg4[%select_n3A_965, %dma_wait3A_975, %dma_wait3A_976] : memref<4096x200x32xf32, #tpu.memory_space<hbm>> -> memref<1x200x32xf32, #tpu.memory_space<hbm>>
        %dma_wait3A_978 = tpu.memref_squeeze %dma_wait3A_977 : memref<1x200x32xf32, #tpu.memory_space<hbm>> -> memref<200x32xf32, #tpu.memory_space<hbm>>
        %dma_wait3A_979 = arith.constant 0 : i32
        %dma_wait3A_980 = arith.constant 0 : i32
        %dma_wait3A_981 = tpu.memref_slice %arg6[%dma_wait3A_966, %dma_wait3A_979, %dma_wait3A_980] : memref<8x200x32xf32, #tpu.memory_space<vmem>> -> memref<1x200x32xf32, #tpu.memory_space<vmem>>
        %dma_wait3A_982 = tpu.memref_squeeze %dma_wait3A_981 : memref<1x200x32xf32, #tpu.memory_space<vmem>> -> memref<200x32xf32, #tpu.memory_space<vmem>>
        tpu.wait_dma2 semaphore(%arg23 : memref<!tpu.dma_semaphore, #tpu.memory_space<semaphore_mem>>) src(%dma_wait3A_982 : memref<200x32xf32, #tpu.memory_space<vmem>>) dst(%dma_wait3A_978 : memref<200x32xf32, #tpu.memory_space<hbm>>)
        %mul3A_983 = arith.constant 200 : i32
        %mul3A_984 = arith.muli %add3A_933, %mul3A_983 : i32
        %dma_start3A_985 = arith.constant 7 : i32
        %dma_start3A_986 = arith.constant 0 : i32
        %dma_start3A_987 = arith.constant 0 : i32
        %dma_start3A_988 = tpu.memref_slice %arg6[%dma_start3A_985, %dma_start3A_986, %dma_start3A_987] : memref<8x200x32xf32, #tpu.memory_space<vmem>> -> memref<1x200x32xf32, #tpu.memory_space<vmem>>
        %dma_start3A_989 = tpu.memref_squeeze %dma_start3A_988 : memref<1x200x32xf32, #tpu.memory_space<vmem>> -> memref<200x32xf32, #tpu.memory_space<vmem>>
        %dma_start3A_990 = tpu.memref_slice %arg5[%mul3A_984] : memref<25600xi32, #tpu.memory_space<vmem>> -> memref<200xi32, #tpu.memory_space<vmem>>
        %dma_start3A_991 = arith.constant 0 : i32
        %dma_start3A_992 = arith.constant 0 : i32
        %dma_start3A_993 = tpu.memref_slice %arg2[%dma_start3A_991, %dma_start3A_992] : memref<1000000x32xf32, #tpu.memory_space<hbm>> -> memref<1000000x32xf32, #tpu.memory_space<hbm>>
        tpu.enqueue_indirect_dma source(%dma_start3A_993 : memref<1000000x32xf32, #tpu.memory_space<hbm>>) target(%dma_start3A_989 : memref<200x32xf32, #tpu.memory_space<vmem>>) offsets(%dma_start3A_990 : memref<200xi32, #tpu.memory_space<vmem>>) semaphore(%arg15 : memref<!tpu.dma_semaphore, #tpu.memory_space<semaphore_mem>>)
      } else {
      }
    }
    %scan3A_88 = arith.constant 16 : i32
    %add3A_89 = arith.constant 24000 : i32
    %add3A_90 = arith.addi %mul3A_2, %add3A_89 : i32
    %jit3A = arith.constant 200 : i32
    %div3A = arith.divsi %add3A_90, %jit3A : i32
    %sign3A = arith.constant 0 : i32
    %sign3A_91 = arith.cmpi sgt, %add3A_90, %sign3A : i32
    %sign3A_92 = arith.extui %sign3A_91 : i1 to i32
    %sign3A_93 = arith.constant 0 : i32
    %sign3A_94 = arith.cmpi slt, %add3A_90, %sign3A_93 : i32
    %sign3A_95 = arith.extui %sign3A_94 : i1 to i32
    %sign3A_96 = arith.subi %sign3A_92, %sign3A_95 : i32
    %sign3A_97 = arith.constant 0 : i32
    %sign3A_98 = arith.cmpi sgt, %jit3A, %sign3A_97 : i32
    %sign3A_99 = arith.extui %sign3A_98 : i1 to i32
    %sign3A_100 = arith.constant 0 : i32
    %sign3A_101 = arith.cmpi slt, %jit3A, %sign3A_100 : i32
    %sign3A_102 = arith.extui %sign3A_101 : i1 to i32
    %sign3A_103 = arith.subi %sign3A_99, %sign3A_102 : i32
    %ne3A = arith.cmpi ne, %sign3A_96, %sign3A_103 : i32
    %rem3A = arith.remsi %add3A_90, %jit3A : i32
    %ne3A_104 = arith.constant 0 : i32
    %ne3A_105 = arith.cmpi ne, %rem3A, %ne3A_104 : i32
    %and3A = arith.andi %ne3A, %ne3A_105 : i1
    %sub3A = arith.constant 1 : i32
    %sub3A_106 = arith.subi %div3A, %sub3A : i32
    %select_n3A = arith.select %and3A, %sub3A_106, %div3A : i32
    %dma_wait3A_107 = arith.constant 0 : i32
    %dma_wait3A_108 = arith.constant 0 : i32
    %dma_wait3A_109 = arith.constant 0 : i32
    %dma_wait3A_110 = tpu.memref_slice %arg6[%dma_wait3A_107, %dma_wait3A_108, %dma_wait3A_109] : memref<8x200x32xf32, #tpu.memory_space<vmem>> -> memref<1x200x32xf32, #tpu.memory_space<vmem>>
    %dma_wait3A_111 = tpu.memref_squeeze %dma_wait3A_110 : memref<1x200x32xf32, #tpu.memory_space<vmem>> -> memref<200x32xf32, #tpu.memory_space<vmem>>
    %dma_wait3A_112 = arith.constant 0 : i32
    %dma_wait3A_113 = arith.constant 0 : i32
    %dma_wait3A_114 = tpu.memref_slice %arg4[%select_n3A, %dma_wait3A_112, %dma_wait3A_113] : memref<4096x200x32xf32, #tpu.memory_space<hbm>> -> memref<1x200x32xf32, #tpu.memory_space<hbm>>
    %dma_wait3A_115 = tpu.memref_squeeze %dma_wait3A_114 : memref<1x200x32xf32, #tpu.memory_space<hbm>> -> memref<200x32xf32, #tpu.memory_space<hbm>>
    %dma_wait3A_116 = arith.constant 0 : i32
    %dma_wait3A_117 = arith.constant 0 : i32
    %dma_wait3A_118 = tpu.memref_slice %arg4[%select_n3A, %dma_wait3A_116, %dma_wait3A_117] : memref<4096x200x32xf32, #tpu.memory_space<hbm>> -> memref<1x200x32xf32, #tpu.memory_space<hbm>>
    %dma_wait3A_119 = tpu.memref_squeeze %dma_wait3A_118 : memref<1x200x32xf32, #tpu.memory_space<hbm>> -> memref<200x32xf32, #tpu.memory_space<hbm>>
    %dma_wait3A_120 = arith.constant 0 : i32
    %dma_wait3A_121 = arith.constant 0 : i32
    %dma_wait3A_122 = tpu.memref_slice %arg6[%dma_wait3A_107, %dma_wait3A_120, %dma_wait3A_121] : memref<8x200x32xf32, #tpu.memory_space<vmem>> -> memref<1x200x32xf32, #tpu.memory_space<vmem>>
    %dma_wait3A_123 = tpu.memref_squeeze %dma_wait3A_122 : memref<1x200x32xf32, #tpu.memory_space<vmem>> -> memref<200x32xf32, #tpu.memory_space<vmem>>
    tpu.wait_dma2 semaphore(%arg16 : memref<!tpu.dma_semaphore, #tpu.memory_space<semaphore_mem>>) src(%dma_wait3A_123 : memref<200x32xf32, #tpu.memory_space<vmem>>) dst(%dma_wait3A_119 : memref<200x32xf32, #tpu.memory_space<hbm>>)
    %add3A_124 = arith.constant 24200 : i32
    %add3A_125 = arith.addi %mul3A_2, %add3A_124 : i32
    %jit3A_126 = arith.constant 200 : i32
    %div3A_127 = arith.divsi %add3A_125, %jit3A_126 : i32
    %sign3A_128 = arith.constant 0 : i32
    %sign3A_129 = arith.cmpi sgt, %add3A_125, %sign3A_128 : i32
    %sign3A_130 = arith.extui %sign3A_129 : i1 to i32
    %sign3A_131 = arith.constant 0 : i32
    %sign3A_132 = arith.cmpi slt, %add3A_125, %sign3A_131 : i32
    %sign3A_133 = arith.extui %sign3A_132 : i1 to i32
    %sign3A_134 = arith.subi %sign3A_130, %sign3A_133 : i32
    %sign3A_135 = arith.constant 0 : i32
    %sign3A_136 = arith.cmpi sgt, %jit3A_126, %sign3A_135 : i32
    %sign3A_137 = arith.extui %sign3A_136 : i1 to i32
    %sign3A_138 = arith.constant 0 : i32
    %sign3A_139 = arith.cmpi slt, %jit3A_126, %sign3A_138 : i32
    %sign3A_140 = arith.extui %sign3A_139 : i1 to i32
    %sign3A_141 = arith.subi %sign3A_137, %sign3A_140 : i32
    %ne3A_142 = arith.cmpi ne, %sign3A_134, %sign3A_141 : i32
    %rem3A_143 = arith.remsi %add3A_125, %jit3A_126 : i32
    %ne3A_144 = arith.constant 0 : i32
    %ne3A_145 = arith.cmpi ne, %rem3A_143, %ne3A_144 : i32
    %and3A_146 = arith.andi %ne3A_142, %ne3A_145 : i1
    %sub3A_147 = arith.constant 1 : i32
    %sub3A_148 = arith.subi %div3A_127, %sub3A_147 : i32
    %select_n3A_149 = arith.select %and3A_146, %sub3A_148, %div3A_127 : i32
    %dma_wait3A_150 = arith.constant 1 : i32
    %dma_wait3A_151 = arith.constant 0 : i32
    %dma_wait3A_152 = arith.constant 0 : i32
    %dma_wait3A_153 = tpu.memref_slice %arg6[%dma_wait3A_150, %dma_wait3A_151, %dma_wait3A_152] : memref<8x200x32xf32, #tpu.memory_space<vmem>> -> memref<1x200x32xf32, #tpu.memory_space<vmem>>
    %dma_wait3A_154 = tpu.memref_squeeze %dma_wait3A_153 : memref<1x200x32xf32, #tpu.memory_space<vmem>> -> memref<200x32xf32, #tpu.memory_space<vmem>>
    %dma_wait3A_155 = arith.constant 0 : i32
    %dma_wait3A_156 = arith.constant 0 : i32
    %dma_wait3A_157 = tpu.memref_slice %arg4[%select_n3A_149, %dma_wait3A_155, %dma_wait3A_156] : memref<4096x200x32xf32, #tpu.memory_space<hbm>> -> memref<1x200x32xf32, #tpu.memory_space<hbm>>
    %dma_wait3A_158 = tpu.memref_squeeze %dma_wait3A_157 : memref<1x200x32xf32, #tpu.memory_space<hbm>> -> memref<200x32xf32, #tpu.memory_space<hbm>>
    %dma_wait3A_159 = arith.constant 0 : i32
    %dma_wait3A_160 = arith.constant 0 : i32
    %dma_wait3A_161 = tpu.memref_slice %arg4[%select_n3A_149, %dma_wait3A_159, %dma_wait3A_160] : memref<4096x200x32xf32, #tpu.memory_space<hbm>> -> memref<1x200x32xf32, #tpu.memory_space<hbm>>
    %dma_wait3A_162 = tpu.memref_squeeze %dma_wait3A_161 : memref<1x200x32xf32, #tpu.memory_space<hbm>> -> memref<200x32xf32, #tpu.memory_space<hbm>>
    %dma_wait3A_163 = arith.constant 0 : i32
    %dma_wait3A_164 = arith.constant 0 : i32
    %dma_wait3A_165 = tpu.memref_slice %arg6[%dma_wait3A_150, %dma_wait3A_163, %dma_wait3A_164] : memref<8x200x32xf32, #tpu.memory_space<vmem>> -> memref<1x200x32xf32, #tpu.memory_space<vmem>>
    %dma_wait3A_166 = tpu.memref_squeeze %dma_wait3A_165 : memref<1x200x32xf32, #tpu.memory_space<vmem>> -> memref<200x32xf32, #tpu.memory_space<vmem>>
    tpu.wait_dma2 semaphore(%arg17 : memref<!tpu.dma_semaphore, #tpu.memory_space<semaphore_mem>>) src(%dma_wait3A_166 : memref<200x32xf32, #tpu.memory_space<vmem>>) dst(%dma_wait3A_162 : memref<200x32xf32, #tpu.memory_space<hbm>>)
    %add3A_167 = arith.constant 24400 : i32
    %add3A_168 = arith.addi %mul3A_2, %add3A_167 : i32
    %jit3A_169 = arith.constant 200 : i32
    %div3A_170 = arith.divsi %add3A_168, %jit3A_169 : i32
    %sign3A_171 = arith.constant 0 : i32
    %sign3A_172 = arith.cmpi sgt, %add3A_168, %sign3A_171 : i32
    %sign3A_173 = arith.extui %sign3A_172 : i1 to i32
    %sign3A_174 = arith.constant 0 : i32
    %sign3A_175 = arith.cmpi slt, %add3A_168, %sign3A_174 : i32
    %sign3A_176 = arith.extui %sign3A_175 : i1 to i32
    %sign3A_177 = arith.subi %sign3A_173, %sign3A_176 : i32
    %sign3A_178 = arith.constant 0 : i32
    %sign3A_179 = arith.cmpi sgt, %jit3A_169, %sign3A_178 : i32
    %sign3A_180 = arith.extui %sign3A_179 : i1 to i32
    %sign3A_181 = arith.constant 0 : i32
    %sign3A_182 = arith.cmpi slt, %jit3A_169, %sign3A_181 : i32
    %sign3A_183 = arith.extui %sign3A_182 : i1 to i32
    %sign3A_184 = arith.subi %sign3A_180, %sign3A_183 : i32
    %ne3A_185 = arith.cmpi ne, %sign3A_177, %sign3A_184 : i32
    %rem3A_186 = arith.remsi %add3A_168, %jit3A_169 : i32
    %ne3A_187 = arith.constant 0 : i32
    %ne3A_188 = arith.cmpi ne, %rem3A_186, %ne3A_187 : i32
    %and3A_189 = arith.andi %ne3A_185, %ne3A_188 : i1
    %sub3A_190 = arith.constant 1 : i32
    %sub3A_191 = arith.subi %div3A_170, %sub3A_190 : i32
    %select_n3A_192 = arith.select %and3A_189, %sub3A_191, %div3A_170 : i32
    %dma_wait3A_193 = arith.constant 2 : i32
    %dma_wait3A_194 = arith.constant 0 : i32
    %dma_wait3A_195 = arith.constant 0 : i32
    %dma_wait3A_196 = tpu.memref_slice %arg6[%dma_wait3A_193, %dma_wait3A_194, %dma_wait3A_195] : memref<8x200x32xf32, #tpu.memory_space<vmem>> -> memref<1x200x32xf32, #tpu.memory_space<vmem>>
    %dma_wait3A_197 = tpu.memref_squeeze %dma_wait3A_196 : memref<1x200x32xf32, #tpu.memory_space<vmem>> -> memref<200x32xf32, #tpu.memory_space<vmem>>
    %dma_wait3A_198 = arith.constant 0 : i32
    %dma_wait3A_199 = arith.constant 0 : i32
    %dma_wait3A_200 = tpu.memref_slice %arg4[%select_n3A_192, %dma_wait3A_198, %dma_wait3A_199] : memref<4096x200x32xf32, #tpu.memory_space<hbm>> -> memref<1x200x32xf32, #tpu.memory_space<hbm>>
    %dma_wait3A_201 = tpu.memref_squeeze %dma_wait3A_200 : memref<1x200x32xf32, #tpu.memory_space<hbm>> -> memref<200x32xf32, #tpu.memory_space<hbm>>
    %dma_wait3A_202 = arith.constant 0 : i32
    %dma_wait3A_203 = arith.constant 0 : i32
    %dma_wait3A_204 = tpu.memref_slice %arg4[%select_n3A_192, %dma_wait3A_202, %dma_wait3A_203] : memref<4096x200x32xf32, #tpu.memory_space<hbm>> -> memref<1x200x32xf32, #tpu.memory_space<hbm>>
    %dma_wait3A_205 = tpu.memref_squeeze %dma_wait3A_204 : memref<1x200x32xf32, #tpu.memory_space<hbm>> -> memref<200x32xf32, #tpu.memory_space<hbm>>
    %dma_wait3A_206 = arith.constant 0 : i32
    %dma_wait3A_207 = arith.constant 0 : i32
    %dma_wait3A_208 = tpu.memref_slice %arg6[%dma_wait3A_193, %dma_wait3A_206, %dma_wait3A_207] : memref<8x200x32xf32, #tpu.memory_space<vmem>> -> memref<1x200x32xf32, #tpu.memory_space<vmem>>
    %dma_wait3A_209 = tpu.memref_squeeze %dma_wait3A_208 : memref<1x200x32xf32, #tpu.memory_space<vmem>> -> memref<200x32xf32, #tpu.memory_space<vmem>>
    tpu.wait_dma2 semaphore(%arg18 : memref<!tpu.dma_semaphore, #tpu.memory_space<semaphore_mem>>) src(%dma_wait3A_209 : memref<200x32xf32, #tpu.memory_space<vmem>>) dst(%dma_wait3A_205 : memref<200x32xf32, #tpu.memory_space<hbm>>)
    %add3A_210 = arith.constant 24600 : i32
    %add3A_211 = arith.addi %mul3A_2, %add3A_210 : i32
    %jit3A_212 = arith.constant 200 : i32
    %div3A_213 = arith.divsi %add3A_211, %jit3A_212 : i32
    %sign3A_214 = arith.constant 0 : i32
    %sign3A_215 = arith.cmpi sgt, %add3A_211, %sign3A_214 : i32
    %sign3A_216 = arith.extui %sign3A_215 : i1 to i32
    %sign3A_217 = arith.constant 0 : i32
    %sign3A_218 = arith.cmpi slt, %add3A_211, %sign3A_217 : i32
    %sign3A_219 = arith.extui %sign3A_218 : i1 to i32
    %sign3A_220 = arith.subi %sign3A_216, %sign3A_219 : i32
    %sign3A_221 = arith.constant 0 : i32
    %sign3A_222 = arith.cmpi sgt, %jit3A_212, %sign3A_221 : i32
    %sign3A_223 = arith.extui %sign3A_222 : i1 to i32
    %sign3A_224 = arith.constant 0 : i32
    %sign3A_225 = arith.cmpi slt, %jit3A_212, %sign3A_224 : i32
    %sign3A_226 = arith.extui %sign3A_225 : i1 to i32
    %sign3A_227 = arith.subi %sign3A_223, %sign3A_226 : i32
    %ne3A_228 = arith.cmpi ne, %sign3A_220, %sign3A_227 : i32
    %rem3A_229 = arith.remsi %add3A_211, %jit3A_212 : i32
    %ne3A_230 = arith.constant 0 : i32
    %ne3A_231 = arith.cmpi ne, %rem3A_229, %ne3A_230 : i32
    %and3A_232 = arith.andi %ne3A_228, %ne3A_231 : i1
    %sub3A_233 = arith.constant 1 : i32
    %sub3A_234 = arith.subi %div3A_213, %sub3A_233 : i32
    %select_n3A_235 = arith.select %and3A_232, %sub3A_234, %div3A_213 : i32
    %dma_wait3A_236 = arith.constant 3 : i32
    %dma_wait3A_237 = arith.constant 0 : i32
    %dma_wait3A_238 = arith.constant 0 : i32
    %dma_wait3A_239 = tpu.memref_slice %arg6[%dma_wait3A_236, %dma_wait3A_237, %dma_wait3A_238] : memref<8x200x32xf32, #tpu.memory_space<vmem>> -> memref<1x200x32xf32, #tpu.memory_space<vmem>>
    %dma_wait3A_240 = tpu.memref_squeeze %dma_wait3A_239 : memref<1x200x32xf32, #tpu.memory_space<vmem>> -> memref<200x32xf32, #tpu.memory_space<vmem>>
    %dma_wait3A_241 = arith.constant 0 : i32
    %dma_wait3A_242 = arith.constant 0 : i32
    %dma_wait3A_243 = tpu.memref_slice %arg4[%select_n3A_235, %dma_wait3A_241, %dma_wait3A_242] : memref<4096x200x32xf32, #tpu.memory_space<hbm>> -> memref<1x200x32xf32, #tpu.memory_space<hbm>>
    %dma_wait3A_244 = tpu.memref_squeeze %dma_wait3A_243 : memref<1x200x32xf32, #tpu.memory_space<hbm>> -> memref<200x32xf32, #tpu.memory_space<hbm>>
    %dma_wait3A_245 = arith.constant 0 : i32
    %dma_wait3A_246 = arith.constant 0 : i32
    %dma_wait3A_247 = tpu.memref_slice %arg4[%select_n3A_235, %dma_wait3A_245, %dma_wait3A_246] : memref<4096x200x32xf32, #tpu.memory_space<hbm>> -> memref<1x200x32xf32, #tpu.memory_space<hbm>>
    %dma_wait3A_248 = tpu.memref_squeeze %dma_wait3A_247 : memref<1x200x32xf32, #tpu.memory_space<hbm>> -> memref<200x32xf32, #tpu.memory_space<hbm>>
    %dma_wait3A_249 = arith.constant 0 : i32
    %dma_wait3A_250 = arith.constant 0 : i32
    %dma_wait3A_251 = tpu.memref_slice %arg6[%dma_wait3A_236, %dma_wait3A_249, %dma_wait3A_250] : memref<8x200x32xf32, #tpu.memory_space<vmem>> -> memref<1x200x32xf32, #tpu.memory_space<vmem>>
    %dma_wait3A_252 = tpu.memref_squeeze %dma_wait3A_251 : memref<1x200x32xf32, #tpu.memory_space<vmem>> -> memref<200x32xf32, #tpu.memory_space<vmem>>
    tpu.wait_dma2 semaphore(%arg19 : memref<!tpu.dma_semaphore, #tpu.memory_space<semaphore_mem>>) src(%dma_wait3A_252 : memref<200x32xf32, #tpu.memory_space<vmem>>) dst(%dma_wait3A_248 : memref<200x32xf32, #tpu.memory_space<hbm>>)
    %add3A_253 = arith.constant 24800 : i32
    %add3A_254 = arith.addi %mul3A_2, %add3A_253 : i32
    %jit3A_255 = arith.constant 200 : i32
    %div3A_256 = arith.divsi %add3A_254, %jit3A_255 : i32
    %sign3A_257 = arith.constant 0 : i32
    %sign3A_258 = arith.cmpi sgt, %add3A_254, %sign3A_257 : i32
    %sign3A_259 = arith.extui %sign3A_258 : i1 to i32
    %sign3A_260 = arith.constant 0 : i32
    %sign3A_261 = arith.cmpi slt, %add3A_254, %sign3A_260 : i32
    %sign3A_262 = arith.extui %sign3A_261 : i1 to i32
    %sign3A_263 = arith.subi %sign3A_259, %sign3A_262 : i32
    %sign3A_264 = arith.constant 0 : i32
    %sign3A_265 = arith.cmpi sgt, %jit3A_255, %sign3A_264 : i32
    %sign3A_266 = arith.extui %sign3A_265 : i1 to i32
    %sign3A_267 = arith.constant 0 : i32
    %sign3A_268 = arith.cmpi slt, %jit3A_255, %sign3A_267 : i32
    %sign3A_269 = arith.extui %sign3A_268 : i1 to i32
    %sign3A_270 = arith.subi %sign3A_266, %sign3A_269 : i32
    %ne3A_271 = arith.cmpi ne, %sign3A_263, %sign3A_270 : i32
    %rem3A_272 = arith.remsi %add3A_254, %jit3A_255 : i32
    %ne3A_273 = arith.constant 0 : i32
    %ne3A_274 = arith.cmpi ne, %rem3A_272, %ne3A_273 : i32
    %and3A_275 = arith.andi %ne3A_271, %ne3A_274 : i1
    %sub3A_276 = arith.constant 1 : i32
    %sub3A_277 = arith.subi %div3A_256, %sub3A_276 : i32
    %select_n3A_278 = arith.select %and3A_275, %sub3A_277, %div3A_256 : i32
    %dma_wait3A_279 = arith.constant 4 : i32
    %dma_wait3A_280 = arith.constant 0 : i32
    %dma_wait3A_281 = arith.constant 0 : i32
    %dma_wait3A_282 = tpu.memref_slice %arg6[%dma_wait3A_279, %dma_wait3A_280, %dma_wait3A_281] : memref<8x200x32xf32, #tpu.memory_space<vmem>> -> memref<1x200x32xf32, #tpu.memory_space<vmem>>
    %dma_wait3A_283 = tpu.memref_squeeze %dma_wait3A_282 : memref<1x200x32xf32, #tpu.memory_space<vmem>> -> memref<200x32xf32, #tpu.memory_space<vmem>>
    %dma_wait3A_284 = arith.constant 0 : i32
    %dma_wait3A_285 = arith.constant 0 : i32
    %dma_wait3A_286 = tpu.memref_slice %arg4[%select_n3A_278, %dma_wait3A_284, %dma_wait3A_285] : memref<4096x200x32xf32, #tpu.memory_space<hbm>> -> memref<1x200x32xf32, #tpu.memory_space<hbm>>
    %dma_wait3A_287 = tpu.memref_squeeze %dma_wait3A_286 : memref<1x200x32xf32, #tpu.memory_space<hbm>> -> memref<200x32xf32, #tpu.memory_space<hbm>>
    %dma_wait3A_288 = arith.constant 0 : i32
    %dma_wait3A_289 = arith.constant 0 : i32
    %dma_wait3A_290 = tpu.memref_slice %arg4[%select_n3A_278, %dma_wait3A_288, %dma_wait3A_289] : memref<4096x200x32xf32, #tpu.memory_space<hbm>> -> memref<1x200x32xf32, #tpu.memory_space<hbm>>
    %dma_wait3A_291 = tpu.memref_squeeze %dma_wait3A_290 : memref<1x200x32xf32, #tpu.memory_space<hbm>> -> memref<200x32xf32, #tpu.memory_space<hbm>>
    %dma_wait3A_292 = arith.constant 0 : i32
    %dma_wait3A_293 = arith.constant 0 : i32
    %dma_wait3A_294 = tpu.memref_slice %arg6[%dma_wait3A_279, %dma_wait3A_292, %dma_wait3A_293] : memref<8x200x32xf32, #tpu.memory_space<vmem>> -> memref<1x200x32xf32, #tpu.memory_space<vmem>>
    %dma_wait3A_295 = tpu.memref_squeeze %dma_wait3A_294 : memref<1x200x32xf32, #tpu.memory_space<vmem>> -> memref<200x32xf32, #tpu.memory_space<vmem>>
    tpu.wait_dma2 semaphore(%arg20 : memref<!tpu.dma_semaphore, #tpu.memory_space<semaphore_mem>>) src(%dma_wait3A_295 : memref<200x32xf32, #tpu.memory_space<vmem>>) dst(%dma_wait3A_291 : memref<200x32xf32, #tpu.memory_space<hbm>>)
    %add3A_296 = arith.constant 25000 : i32
    %add3A_297 = arith.addi %mul3A_2, %add3A_296 : i32
    %jit3A_298 = arith.constant 200 : i32
    %div3A_299 = arith.divsi %add3A_297, %jit3A_298 : i32
    %sign3A_300 = arith.constant 0 : i32
    %sign3A_301 = arith.cmpi sgt, %add3A_297, %sign3A_300 : i32
    %sign3A_302 = arith.extui %sign3A_301 : i1 to i32
    %sign3A_303 = arith.constant 0 : i32
    %sign3A_304 = arith.cmpi slt, %add3A_297, %sign3A_303 : i32
    %sign3A_305 = arith.extui %sign3A_304 : i1 to i32
    %sign3A_306 = arith.subi %sign3A_302, %sign3A_305 : i32
    %sign3A_307 = arith.constant 0 : i32
    %sign3A_308 = arith.cmpi sgt, %jit3A_298, %sign3A_307 : i32
    %sign3A_309 = arith.extui %sign3A_308 : i1 to i32
    %sign3A_310 = arith.constant 0 : i32
    %sign3A_311 = arith.cmpi slt, %jit3A_298, %sign3A_310 : i32
    %sign3A_312 = arith.extui %sign3A_311 : i1 to i32
    %sign3A_313 = arith.subi %sign3A_309, %sign3A_312 : i32
    %ne3A_314 = arith.cmpi ne, %sign3A_306, %sign3A_313 : i32
    %rem3A_315 = arith.remsi %add3A_297, %jit3A_298 : i32
    %ne3A_316 = arith.constant 0 : i32
    %ne3A_317 = arith.cmpi ne, %rem3A_315, %ne3A_316 : i32
    %and3A_318 = arith.andi %ne3A_314, %ne3A_317 : i1
    %sub3A_319 = arith.constant 1 : i32
    %sub3A_320 = arith.subi %div3A_299, %sub3A_319 : i32
    %select_n3A_321 = arith.select %and3A_318, %sub3A_320, %div3A_299 : i32
    %dma_wait3A_322 = arith.constant 5 : i32
    %dma_wait3A_323 = arith.constant 0 : i32
    %dma_wait3A_324 = arith.constant 0 : i32
    %dma_wait3A_325 = tpu.memref_slice %arg6[%dma_wait3A_322, %dma_wait3A_323, %dma_wait3A_324] : memref<8x200x32xf32, #tpu.memory_space<vmem>> -> memref<1x200x32xf32, #tpu.memory_space<vmem>>
    %dma_wait3A_326 = tpu.memref_squeeze %dma_wait3A_325 : memref<1x200x32xf32, #tpu.memory_space<vmem>> -> memref<200x32xf32, #tpu.memory_space<vmem>>
    %dma_wait3A_327 = arith.constant 0 : i32
    %dma_wait3A_328 = arith.constant 0 : i32
    %dma_wait3A_329 = tpu.memref_slice %arg4[%select_n3A_321, %dma_wait3A_327, %dma_wait3A_328] : memref<4096x200x32xf32, #tpu.memory_space<hbm>> -> memref<1x200x32xf32, #tpu.memory_space<hbm>>
    %dma_wait3A_330 = tpu.memref_squeeze %dma_wait3A_329 : memref<1x200x32xf32, #tpu.memory_space<hbm>> -> memref<200x32xf32, #tpu.memory_space<hbm>>
    %dma_wait3A_331 = arith.constant 0 : i32
    %dma_wait3A_332 = arith.constant 0 : i32
    %dma_wait3A_333 = tpu.memref_slice %arg4[%select_n3A_321, %dma_wait3A_331, %dma_wait3A_332] : memref<4096x200x32xf32, #tpu.memory_space<hbm>> -> memref<1x200x32xf32, #tpu.memory_space<hbm>>
    %dma_wait3A_334 = tpu.memref_squeeze %dma_wait3A_333 : memref<1x200x32xf32, #tpu.memory_space<hbm>> -> memref<200x32xf32, #tpu.memory_space<hbm>>
    %dma_wait3A_335 = arith.constant 0 : i32
    %dma_wait3A_336 = arith.constant 0 : i32
    %dma_wait3A_337 = tpu.memref_slice %arg6[%dma_wait3A_322, %dma_wait3A_335, %dma_wait3A_336] : memref<8x200x32xf32, #tpu.memory_space<vmem>> -> memref<1x200x32xf32, #tpu.memory_space<vmem>>
    %dma_wait3A_338 = tpu.memref_squeeze %dma_wait3A_337 : memref<1x200x32xf32, #tpu.memory_space<vmem>> -> memref<200x32xf32, #tpu.memory_space<vmem>>
    tpu.wait_dma2 semaphore(%arg21 : memref<!tpu.dma_semaphore, #tpu.memory_space<semaphore_mem>>) src(%dma_wait3A_338 : memref<200x32xf32, #tpu.memory_space<vmem>>) dst(%dma_wait3A_334 : memref<200x32xf32, #tpu.memory_space<hbm>>)
    %add3A_339 = arith.constant 25200 : i32
    %add3A_340 = arith.addi %mul3A_2, %add3A_339 : i32
    %jit3A_341 = arith.constant 200 : i32
    %div3A_342 = arith.divsi %add3A_340, %jit3A_341 : i32
    %sign3A_343 = arith.constant 0 : i32
    %sign3A_344 = arith.cmpi sgt, %add3A_340, %sign3A_343 : i32
    %sign3A_345 = arith.extui %sign3A_344 : i1 to i32
    %sign3A_346 = arith.constant 0 : i32
    %sign3A_347 = arith.cmpi slt, %add3A_340, %sign3A_346 : i32
    %sign3A_348 = arith.extui %sign3A_347 : i1 to i32
    %sign3A_349 = arith.subi %sign3A_345, %sign3A_348 : i32
    %sign3A_350 = arith.constant 0 : i32
    %sign3A_351 = arith.cmpi sgt, %jit3A_341, %sign3A_350 : i32
    %sign3A_352 = arith.extui %sign3A_351 : i1 to i32
    %sign3A_353 = arith.constant 0 : i32
    %sign3A_354 = arith.cmpi slt, %jit3A_341, %sign3A_353 : i32
    %sign3A_355 = arith.extui %sign3A_354 : i1 to i32
    %sign3A_356 = arith.subi %sign3A_352, %sign3A_355 : i32
    %ne3A_357 = arith.cmpi ne, %sign3A_349, %sign3A_356 : i32
    %rem3A_358 = arith.remsi %add3A_340, %jit3A_341 : i32
    %ne3A_359 = arith.constant 0 : i32
    %ne3A_360 = arith.cmpi ne, %rem3A_358, %ne3A_359 : i32
    %and3A_361 = arith.andi %ne3A_357, %ne3A_360 : i1
    %sub3A_362 = arith.constant 1 : i32
    %sub3A_363 = arith.subi %div3A_342, %sub3A_362 : i32
    %select_n3A_364 = arith.select %and3A_361, %sub3A_363, %div3A_342 : i32
    %dma_wait3A_365 = arith.constant 6 : i32
    %dma_wait3A_366 = arith.constant 0 : i32
    %dma_wait3A_367 = arith.constant 0 : i32
    %dma_wait3A_368 = tpu.memref_slice %arg6[%dma_wait3A_365, %dma_wait3A_366, %dma_wait3A_367] : memref<8x200x32xf32, #tpu.memory_space<vmem>> -> memref<1x200x32xf32, #tpu.memory_space<vmem>>
    %dma_wait3A_369 = tpu.memref_squeeze %dma_wait3A_368 : memref<1x200x32xf32, #tpu.memory_space<vmem>> -> memref<200x32xf32, #tpu.memory_space<vmem>>
    %dma_wait3A_370 = arith.constant 0 : i32
    %dma_wait3A_371 = arith.constant 0 : i32
    %dma_wait3A_372 = tpu.memref_slice %arg4[%select_n3A_364, %dma_wait3A_370, %dma_wait3A_371] : memref<4096x200x32xf32, #tpu.memory_space<hbm>> -> memref<1x200x32xf32, #tpu.memory_space<hbm>>
    %dma_wait3A_373 = tpu.memref_squeeze %dma_wait3A_372 : memref<1x200x32xf32, #tpu.memory_space<hbm>> -> memref<200x32xf32, #tpu.memory_space<hbm>>
    %dma_wait3A_374 = arith.constant 0 : i32
    %dma_wait3A_375 = arith.constant 0 : i32
    %dma_wait3A_376 = tpu.memref_slice %arg4[%select_n3A_364, %dma_wait3A_374, %dma_wait3A_375] : memref<4096x200x32xf32, #tpu.memory_space<hbm>> -> memref<1x200x32xf32, #tpu.memory_space<hbm>>
    %dma_wait3A_377 = tpu.memref_squeeze %dma_wait3A_376 : memref<1x200x32xf32, #tpu.memory_space<hbm>> -> memref<200x32xf32, #tpu.memory_space<hbm>>
    %dma_wait3A_378 = arith.constant 0 : i32
    %dma_wait3A_379 = arith.constant 0 : i32
    %dma_wait3A_380 = tpu.memref_slice %arg6[%dma_wait3A_365, %dma_wait3A_378, %dma_wait3A_379] : memref<8x200x32xf32, #tpu.memory_space<vmem>> -> memref<1x200x32xf32, #tpu.memory_space<vmem>>
    %dma_wait3A_381 = tpu.memref_squeeze %dma_wait3A_380 : memref<1x200x32xf32, #tpu.memory_space<vmem>> -> memref<200x32xf32, #tpu.memory_space<vmem>>
    tpu.wait_dma2 semaphore(%arg22 : memref<!tpu.dma_semaphore, #tpu.memory_space<semaphore_mem>>) src(%dma_wait3A_381 : memref<200x32xf32, #tpu.memory_space<vmem>>) dst(%dma_wait3A_377 : memref<200x32xf32, #tpu.memory_space<hbm>>)
    %add3A_382 = arith.constant 25400 : i32
    %add3A_383 = arith.addi %mul3A_2, %add3A_382 : i32
    %jit3A_384 = arith.constant 200 : i32
    %div3A_385 = arith.divsi %add3A_383, %jit3A_384 : i32
    %sign3A_386 = arith.constant 0 : i32
    %sign3A_387 = arith.cmpi sgt, %add3A_383, %sign3A_386 : i32
    %sign3A_388 = arith.extui %sign3A_387 : i1 to i32
    %sign3A_389 = arith.constant 0 : i32
    %sign3A_390 = arith.cmpi slt, %add3A_383, %sign3A_389 : i32
    %sign3A_391 = arith.extui %sign3A_390 : i1 to i32
    %sign3A_392 = arith.subi %sign3A_388, %sign3A_391 : i32
    %sign3A_393 = arith.constant 0 : i32
    %sign3A_394 = arith.cmpi sgt, %jit3A_384, %sign3A_393 : i32
    %sign3A_395 = arith.extui %sign3A_394 : i1 to i32
    %sign3A_396 = arith.constant 0 : i32
    %sign3A_397 = arith.cmpi slt, %jit3A_384, %sign3A_396 : i32
    %sign3A_398 = arith.extui %sign3A_397 : i1 to i32
    %sign3A_399 = arith.subi %sign3A_395, %sign3A_398 : i32
    %ne3A_400 = arith.cmpi ne, %sign3A_392, %sign3A_399 : i32
    %rem3A_401 = arith.remsi %add3A_383, %jit3A_384 : i32
    %ne3A_402 = arith.constant 0 : i32
    %ne3A_403 = arith.cmpi ne, %rem3A_401, %ne3A_402 : i32
    %and3A_404 = arith.andi %ne3A_400, %ne3A_403 : i1
    %sub3A_405 = arith.constant 1 : i32
    %sub3A_406 = arith.subi %div3A_385, %sub3A_405 : i32
    %select_n3A_407 = arith.select %and3A_404, %sub3A_406, %div3A_385 : i32
    %dma_wait3A_408 = arith.constant 7 : i32
    %dma_wait3A_409 = arith.constant 0 : i32
    %dma_wait3A_410 = arith.constant 0 : i32
    %dma_wait3A_411 = tpu.memref_slice %arg6[%dma_wait3A_408, %dma_wait3A_409, %dma_wait3A_410] : memref<8x200x32xf32, #tpu.memory_space<vmem>> -> memref<1x200x32xf32, #tpu.memory_space<vmem>>
    %dma_wait3A_412 = tpu.memref_squeeze %dma_wait3A_411 : memref<1x200x32xf32, #tpu.memory_space<vmem>> -> memref<200x32xf32, #tpu.memory_space<vmem>>
    %dma_wait3A_413 = arith.constant 0 : i32
    %dma_wait3A_414 = arith.constant 0 : i32
    %dma_wait3A_415 = tpu.memref_slice %arg4[%select_n3A_407, %dma_wait3A_413, %dma_wait3A_414] : memref<4096x200x32xf32, #tpu.memory_space<hbm>> -> memref<1x200x32xf32, #tpu.memory_space<hbm>>
    %dma_wait3A_416 = tpu.memref_squeeze %dma_wait3A_415 : memref<1x200x32xf32, #tpu.memory_space<hbm>> -> memref<200x32xf32, #tpu.memory_space<hbm>>
    %dma_wait3A_417 = arith.constant 0 : i32
    %dma_wait3A_418 = arith.constant 0 : i32
    %dma_wait3A_419 = tpu.memref_slice %arg4[%select_n3A_407, %dma_wait3A_417, %dma_wait3A_418] : memref<4096x200x32xf32, #tpu.memory_space<hbm>> -> memref<1x200x32xf32, #tpu.memory_space<hbm>>
    %dma_wait3A_420 = tpu.memref_squeeze %dma_wait3A_419 : memref<1x200x32xf32, #tpu.memory_space<hbm>> -> memref<200x32xf32, #tpu.memory_space<hbm>>
    %dma_wait3A_421 = arith.constant 0 : i32
    %dma_wait3A_422 = arith.constant 0 : i32
    %dma_wait3A_423 = tpu.memref_slice %arg6[%dma_wait3A_408, %dma_wait3A_421, %dma_wait3A_422] : memref<8x200x32xf32, #tpu.memory_space<vmem>> -> memref<1x200x32xf32, #tpu.memory_space<vmem>>
    %dma_wait3A_424 = tpu.memref_squeeze %dma_wait3A_423 : memref<1x200x32xf32, #tpu.memory_space<vmem>> -> memref<200x32xf32, #tpu.memory_space<vmem>>
    tpu.wait_dma2 semaphore(%arg23 : memref<!tpu.dma_semaphore, #tpu.memory_space<semaphore_mem>>) src(%dma_wait3A_424 : memref<200x32xf32, #tpu.memory_space<vmem>>) dst(%dma_wait3A_420 : memref<200x32xf32, #tpu.memory_space<hbm>>)
    return
  }
}

</mosaic_0001>

<sc_bundles>
// kernel: kernel.3.cloned.1.call-start
scs
__scs_entry_jumppad:
0x0: {  	(pc) =	sbr.rel $0x88, $3  }
0x1: {  	(tag) =	ssettag $0x0;
	lr =	simm.s32 $0x1  }
0x2: {  	[smem:$0x3F9F] =	sst lr;
	_ =	strace $0xD0000000  }
0x3: {  	_ = 	snop  }
0x4: {  	_ = 	snop  }
0x5: {  	_ = 	snop  }
0x6: {  	_ = 	snop  }
0x7: {  	_ = 	snop  }
__scs_overlays_trampoline_lowered:
0x8: {  	[smem:$0x3FAE] =	sst s0  }
0x9: {  	[smem:$0x3FAF] =	sst s1  }
0xa: {  	[smem:$0x3FB0] =	sst s2  }
0xb: {  	[smem:$0x3FB1] =	sst s3  }
0xc: {  	[smem:$0x3FB2] =	sst s4  }
0xd: {  	[smem:$0x3FB3] =	sst s5  }
0xe: {  	[smem:$0x3FB4] =	sst s6  }
0xf: {  	[smem:$0x3FB5] =	sst s7  }
0x10: {  	[smem:$0x3FB6] =	sst s8  }
0x11: {  	[smem:$0x3FB7] =	sst s9;
	s0 =	simm.s32 @!p0 $0x0  }
0x12: {  	s1 =	sld [smem:$0x3F9D];
	s0 =	simm.s32 @p0 $0x1  }
0x13: {  	[smem:$0x3FB8] =	sst s0;
	s0 =	simm.s32 @!p1 $0x0  }
0x14: {  	s2 =	sld [smem:$0x3F9C];
	s0 =	simm.s32 @p1 $0x1  }
0x15: {  	[smem:$0x3FB9] =	sst s0;
	s0 =	simm.s32 @!p2 $0x0  }
0x16: {  	s3 =	sld [smem:$0x3FDB];
	s0 =	simm.s32 @p2 $0x1  }
0x17: {  	s4 =	simm.s32 $0x1BF5;
	[smem:$0x3FBB] =	sst s0  }
0x18: {  	s0 =	sld [smem:$0x3F9E];
	_ =	swait.ge [sflag:s4], $0x0  }
0x19: {  	s7 =	sld [smem:$0x3F9F]  }
0x1a: {  	s8 =	sadd.s32 $0xFFFFE003, lr  }
0x1b: {  	s9 =	sadd.s32 $0xFFFFFEF7, lr;
	s5 =	simm.s32 $0xFFFFFFFF;
	p2 =	slt.u32 s8, $0xFFFFF086  }
0x1c: {  	p1 =	slt.u32 s9, $0xF7A;
	s5 =	simm.s32 @!p2 $0x0  }
0x1d: {  	s5 =	simm.s32 @p1 $0x1;
	p0 =	seq.s32 s7, s2  }
0x1e: {  	s7 =	smul.u32 @!p0 $0xF7A, s2;
	p2 =	seq.s32 @!p0 s5, $0x0  }
0x1f: {  	s9 =	smul.u32 $0xF7A, s1;
	s8 =	simm.s32 @!p0 $0x1BF5;
	p2 =	por !p2, p0  }
0x20: {  	[sflag:s8] =	ssyncset.s32 @!p0 $0xFFFFF086;
	s6 =	sadd.s32 @!p0 s3, s7;
	s7 =	simm.s32 @!p0 $0x108  }
0x21: {  	s3 =	sadd.s32 s3, s9;
	s6 =	sadd.s32 @!p0 $0x88, s6;
	s7 =	simm.s32 @p2 $0x1082  }
0x22: {  	[simem:s7], [sflag:s8] =	dma.local @!p0 [hbm:s6], $0xF7A  }
0x23: {  	s9 =	sor.u32 $0xD0000000, s2;
	s6 =	simm.s32 $0x108;
	_ =	swait.ge @!p0 [sflag:s8], $0x0  }
0x24: {  	s3 =	sadd.s32 $0x88, s3;
	s6 =	simm.s32 @!p1 $0x1082;
	[sflag:s4] =	ssyncset.s32 $0xFFFFF086  }
0x25: {  	[simem:s6], [sflag:s4] =	dma.local [hbm:s3], $0xF7A  }
0x26: {  	[smem:$0x3F9F] =	sst s1;
	(tag) =	ssettag s2;
	_ =	strace s9  }
0x27: {  	s1 =	sld [smem:$0x3FAF]  }
0x28: {  	s2 =	sld [smem:$0x3FB0]  }
0x29: {  	s4 =	sld [smem:$0x3FB2]  }
0x2a: {  	p0 =	seq.s32 s5, $0x0;
	s5 =	sld [smem:$0x3FB3]  }
0x2b: {  	s6 =	sld [smem:$0x3FB4]  }
0x2c: {  	s7 =	sld [smem:$0x3FB5]  }
0x2d: {  	s3 =	simm.s32 $0x108;
	s8 =	sld [smem:$0x3FB6]  }
0x2e: {  	s3 =	simm.s32 @!p0 $0x1082;
	s9 =	sld [smem:$0x3FB7]  }
0x2f: {  	lr =	sadd.s32 s0, s3;
	s0 =	sld [smem:$0x3FAE]  }
0x30: {  	s3 =	sld [smem:$0x3FB1]  }
0x31: {  	[smem:$0x3FBA] =	sst s10  }
0x32: {  	s10 =	sld [smem:$0x3FB8];
	_ =	sdelay $0x3  }
0x33: {  	p0 =	seq.s32 s10, $0x1;
	s10 =	sld [smem:$0x3FBA];
	_ =	sdelay $0x3  }
0x34: {  	[smem:$0x3FBA] =	sst s10  }
0x35: {  	s10 =	sld [smem:$0x3FB9];
	_ =	sdelay $0x3  }
0x36: {  	p1 =	seq.s32 s10, $0x1;
	s10 =	sld [smem:$0x3FBA];
	_ =	sdelay $0x3  }
0x37: {  	[smem:$0x3FBA] =	sst s10  }
0x38: {  	s10 =	sld [smem:$0x3FBB]  }
0x39: {  	_ = 	snop;
	(pc) =	sbr.ind lr, $3  }
0x3a: {  	_ = 	snop  }
0x3b: {  	_ = 	snop  }
0x3c: {  	p2 =	seq.s32 s10, $0x1;
	s10 =	sld [smem:$0x3FBA]  }
0x3d: {  	_ =	shalt  }
0x3e: {  	_ =	shalt  }
0x3f: {  	_ =	shalt  }
0x40: {  	_ =	shalt  }
0x41: {  	_ =	shalt  }
0x42: {  	_ =	shalt  }
0x43: {  	_ =	shalt  }
0x44: {  	_ =	shalt  }
0x45: {  	_ =	shalt  }
0x46: {  	_ =	shalt  }
0x47: {  	_ =	shalt  }
0x48: {  	_ =	shalt  }
0x49: {  	_ =	shalt  }
0x4a: {  	_ =	shalt  }
0x4b: {  	_ =	shalt  }
0x4c: {  	_ =	shalt  }
0x4d: {  	_ =	shalt  }
0x4e: {  	_ =	shalt  }
0x4f: {  	_ =	shalt  }
0x50: {  	_ =	shalt  }
0x51: {  	_ =	shalt  }
0x52: {  	_ =	shalt  }
0x53: {  	_ =	shalt  }
0x54: {  	_ =	shalt  }
0x55: {  	_ =	shalt  }
0x56: {  	_ =	shalt  }
0x57: {  	_ =	shalt  }
0x58: {  	_ =	shalt  }
0x59: {  	_ =	shalt  }
0x5a: {  	_ =	shalt  }
0x5b: {  	_ =	shalt  }
0x5c: {  	_ =	shalt  }
0x5d: {  	_ =	shalt  }
0x5e: {  	_ =	shalt  }
0x5f: {  	_ =	shalt  }
0x60: {  	_ =	shalt  }
0x61: {  	_ =	shalt  }
0x62: {  	_ =	shalt  }
0x63: {  	_ =	shalt  }
0x64: {  	_ =	shalt  }
0x65: {  	_ =	shalt  }
0x66: {  	_ =	shalt  }
0x67: {  	_ =	shalt  }
0x68: {  	_ =	shalt  }
0x69: {  	_ =	shalt  }
0x6a: {  	_ =	shalt  }
0x6b: {  	_ =	shalt  }
0x6c: {  	_ =	shalt  }
0x6d: {  	_ =	shalt  }
0x6e: {  	_ =	shalt  }
0x6f: {  	_ =	shalt  }
0x70: {  	_ =	shalt  }
0x71: {  	_ =	shalt  }
0x72: {  	_ =	shalt  }
0x73: {  	_ =	shalt  }
0x74: {  	_ =	shalt  }
0x75: {  	_ =	shalt  }
0x76: {  	_ =	shalt  }
0x77: {  	_ =	shalt  }
0x78: {  	_ =	shalt  }
0x79: {  	_ =	shalt  }
0x7a: {  	_ =	shalt  }
0x7b: {  	_ =	shalt  }
0x7c: {  	_ =	shalt  }
0x7d: {  	_ =	shalt  }
0x7e: {  	_ =	shalt  }
0x7f: {  	_ =	shalt  }
0x80: {  	_ =	shalt  }
0x81: {  	_ =	shalt  }
0x82: {  	_ =	shalt  }
0x83: {  	_ =	shalt  }
0x84: {  	_ =	shalt  }
0x85: {  	_ =	shalt  }
0x86: {  	_ =	shalt  }
0x87: {  	_ =	shalt  }
.Lfunc_end0:
.L_simem_size_0:
called_computation.1_lowered:
.L_overlay_start_0:
0x88: {  	s2 =	sld [smem:$0x3FD9]  }
0x89: {  	s3 =	sld [smem:$0x3FFE];
	_ =	sdelay $0x1  }
0x8a: {  	s1 =	srdreg.scid  }
0x8b: {  	s0 =	sand.u32 $0x1, s1  }
0x8c: {  	s17 =	sshll.u32 s0, $0xA;
	s2 =	sadd.s32 s3, s2  }
0x8d: {  	s2 =	sadd.s32 s2, s17  }
0x8e: {  	[smem:$0x3FC6] =	sst s2  }
0x8f: {  	_ = 	snop  }
0x90: {  	s2 =	sld [smem:$0x3FD0];
	(tm) =	ssettm $0x1  }
0x91: {  	s18 =	sld [smem:$0x3FFB];
	_ =	sdelay $0x3  }
0x92: {  	_ =	strace s18  }
0x93: {  	s3 =	sld [smem:$0x3FFC];
	_ =	sdelay $0x3  }
0x94: {  	_ =	strace s3  }
0x95: {  	s3 =	sld [smem:$0x3FFD];
	_ =	sdelay $0x3  }
0x96: {  	_ =	strace s3  }
0x97: {  	_ =	strace $0x8FFFFFFF  }
0x98: {  	s19 =	sld [smem:$0x3FDB];
	_ =	sdelay $0x1  }
0x99: {  	s4 =	simm.s32 $_scs_section_size  }
0x9a: {  	s5 =	simm.s32 $_size__tile_overlayer_lowered;
	s6 =	simm.s32 $_tile_overlayer_lowered  }
0x9b: {  	s22 =	simm.s32 $0x1BFF;
	s21 =	sshll.u32 s6, $0x1;
	s3 =	sadd.s32 s4, s19  }
0x9c: {  	s7 =	simm.s32 $0x0;
	s20 =	sshll.u32 s5, $0x1;
	s5 =	sadd.s32 s21, s3  }
0x9d: {  	[timem:s7], [sflag:s22] =	dma.local [hbm:s5], s20  }
0x9e: {  	_ =	swait.ge [sflag:s22], s20  }
0x9f: {  	s4 =	ssub.s32 $0x0, s20;
	[sflag:s22] =	ssyncset.done $0x0  }
0xa0: {  	[sflag:s22] =	ssyncadd.s32 s4;
	_ =	sdelay $0x1  }
0xa1: {  	s23 =	simm.s32 $0x1B8B  }
0xa2: {  	_ =	swait.ge [sflag:s23], $0x1  }
0xa3: {  	[sflag:s23] =	ssyncset.done $0x0  }
0xa4: {  	s25 =	simm.s32 $0x1B8E;
	s24 =	sld [smem:$0x3FFE];
	[sflag:s23] =	ssyncadd.s32 $0xFFFFFFFF  }
0xa5: {  	s26 =	simm.s32 $execute0_lowered;
	[smem:$0x3FD2] =	sst s25  }
0xa6: {  	s5 =	sshll.u32 s26, $0x1;
	_ =	strace $0x80000046;
	[dreg:$0x1] =	wrdreg $0xFFFFFFFF  }
0xa7: {  	s28 =	simm.s32 $_size_execute0_lowered;
	s3 =	sadd.s32 s3, s5;
	[dreg:$0x0] =	wrdreg $0x0  }
0xa8: {  	s5 =	sshll.u32 s28, $0x1;
	[dreg:$0x2] =	wrdreg s3  }
0xa9: {  	[dreg:$0x3] =	wrdreg s5  }
0xaa: {  	[dreg:$0x4] =	wrdreg $0xC0  }
0xab: {  	_ =	task [dreg:s7], $0x5FFFF  }
0xac: {  	[dreg:$0x1] =	wrdreg $0xFFFFFFFF  }
0xad: {  	[dreg:$0x0] =	wrdreg $0x60  }
0xae: {  	[dreg:$0x2] =	wrdreg s24  }
0xaf: {  	[dreg:$0x3] =	wrdreg s2  }
0xb0: {  	[dreg:$0x4] =	wrdreg $0x9  }
0xb1: {  	_ =	task.clear_ibuf [dreg:s7], $0x5FFFF;
	_ =	strace $0x90000046  }
0xb2: {  	s29 =	simm.s32 $0x9;
	_ =	strace $0x80000048  }
0xb3: {  	_ =	swait.ge [sflag:s29], $0x1  }
0xb4: {  	[sflag:s29] =	ssyncadd.s32 $0xFFFFFFFF  }
0xb5: {  	_ =	strace $0x90000048  }
0xb6: {  	_ =	sfence  }
0xb7: {  	s30 =	sld [smem:$0x0];
	_ =	sdelay $0x2  }
0xb8: {  	s31 =	sshll.u32 s1, $0xD;
	s1 =	sshrl.u32 s1, $0x2  }
0xb9: {  	s3 =	sand.u32 $0x4000, s31;
	s1 =	sadd.s32 s1, s30  }
0xba: {  	s0 =	sor.u32 s3, s0;
	s1 =	sshll.u32 s1, $0x11  }
0xbb: {  	s0 =	sor.u32 s1, s0  }
0xbc: {  	s0 =	sadd.s32 $0x8F2B, s0  }
0xbd: {  	[sflag:s0] =	ssyncadd.remote.s32 $0x1  }
0xbe: {  	_ =	sfence.sel $0xFFFF  }
0xbf: {  	[dreg:$0x0] =	wrdreg $0xFFFFFFFF;
	(pc) =	sbr.abs _section_cstart, $3  }
0xc0: {  	[dreg:$0x1] =	wrdreg $0xFFFFFFFF  }
0xc1: {  	_ =	task.clear_ibuf [dreg:s7], $0x2FFFF;
	_ =	strace $0x9FFFFFFF  }
0xc2: {  	(tm) =	ssettm $0x7FFFFFFF  }
0xc3: {  	_ =	shalt  }
tec
execute0_lowered:
.L_overlay_start_1:
0x0: {  	(tag) =	ssettag $0x1  }
0x1: {  	s0 =	srdreg.scid;
	s3 =	stileid.u32  }
0x2: {  	s0 =	sand.u32 $0x1, s0;
	s1 =	smul.u32 $0xC800, s3  }
0x3: {  	s2 =	smul.u32 $0x6400, s0  }
0x4: {  	s3 =	sshll.u32 s3, $0x1  }
0x5: {  	s3 =	sor.u32 s0, s3;
	s1 =	sadd.s32 s2, s1  }
0x6: {  	s4 =	smul.u32 $0x6400, s3;
	s2 =	sadd.s32 $0x578, s1;
	s22 =	sadd.s32 $0x4B0, s1  }
0x7: {  	s23 =	sor.u32 $0x3E8, s1;
	s24 =	sor.u32 $0x320, s1;
	s25 =	sor.u32 $0x258, s1  }
0x8: {  	s26 =	sor.u32 $0x190, s1;
	s12 =	sor.u32 $0xC8, s1;
	s1 =	smulhi.u32 $0x147AE15, s1  }
0x9: {  	s2 =	smulhi.u32 $0x147AE15, s2  }
0xa: {  	s6 =	rddreg [dreg:$0x0];
	s3 =	smulhi.u32 $0x147AE15, s22  }
0xb: {  	s13 =	rddreg [dreg:$0x1];
	s10 =	smulhi.u32 $0x147AE15, s25  }
0xc: {  	s15 =	simm.s32 $0xC8;
	s19 =	simm.s32 $0x9600;
	s11 =	smulhi.u32 $0x147AE15, s26  }
0xd: {  	s21 =	simm.s32 $0xAF00;
	s28 =	simm.s32 $0xFA00;
	s12 =	smulhi.u32 $0x147AE15, s12  }
0xe: {  	s30 =	simm.s32 $0x11300;
	s31 =	simm.s32 $0x2;
	s1 =	smul.u32 $0x320, s1  }
0xf: {  	s18 =	simm.s32 $0x5;
	s0 =	ssub.s32 $0x2, s0;
	s5 =	smul.u32 $0x320, s2  }
0x10: {  	s20 =	simm.s32 $0x6;
	s14 =	sshrl.u32 s0, $0x1;
	s7 =	smul.u32 $0x320, s3  }
0x11: {  	s0 =	ssub.s32 s0, s14;
	s14 =	simm.s32 $0x11;
	s2 =	smulhi.u32 $0x147AE15, s23  }
0x12: {  	s4 =	sshrl.u32 s4, $0x3;
	s0 =	smax.u32 s0, $0x1;
	s3 =	smulhi.u32 $0x147AE15, s24  }
0x13: {  	s4 =	sadd.s32 s4, s6;
	s25 =	simm.s32 $0xE100;
	s10 =	smul.u32 $0x320, s10  }
0x14: {  	s22 =	simm.s32 $0x7;
	s26 =	simm.s32 $0x9;
	s11 =	smul.u32 $0x320, s11  }
0x15: {  	s4 =	sadd.s32 $0xA00, s4;
	s29 =	smul.u32 $0x320, s12;
	s23 =	simm.s32 $0xC800  }
0x16: {  	s24 =	simm.s32 $0x8;
	s8 =	smul.u32 $0x320, s2;
	s2 =	simm.s32 $0x0  }
0x17: {  	s9 =	smul.u32 $0x320, s3;
	s3 =	sadd.s32 $0xF42E00, s6;
	s6 =	sadd.s32 s5, s13  }
.Ltmp0:
0x18: {  	s7 =	sadd.s32 s7, s13;
	s10 =	sadd.s32 s10, s13;
	(pc) =	sbr.rel .LBB2_1-.Ltmp0, $4  }
0x19: {  	s11 =	sadd.s32 s11, s13;
	s12 =	sadd.s32 s29, s13;
	[smem:$0x7FF] =	sst s2  }
0x1a: {  	s5 =	simm.s32 $0x0;
	_ =	strace $0x80000047;
	[dreg:$0x3] =	wrdreg s4  }
0x1b: {  	[dreg:$0x4] =	wrdreg s0;
	s8 =	sadd.s32 s8, s13;
	s9 =	sadd.s32 s9, s13  }
0x1c: {  	s13 =	sadd.s32 s1, s13;
	s1 =	simm.s32 $0x3;
	s0 =	simm.s32 $0x4  }
.LBB2_4:
0x1d: {  	s4 =	simm.s32 $0xA  }
0x1e: {  	_ =	swait.ge [sflag:s4], $0x1900  }
0x1f: {  	[sflag:s4] =	ssyncset.done $0x0  }
0x20: {  	s16 =	simm.s32 $0xB;
	[sflag:s4] =	ssyncadd.s32 $0xFFFFE700  }
0x21: {  	_ =	swait.ge [sflag:s16], $0x1900  }
0x22: {  	[sflag:s16] =	ssyncset.done $0x0  }
0x23: {  	s17 =	simm.s32 $0xC;
	[sflag:s16] =	ssyncadd.s32 $0xFFFFE700  }
0x24: {  	_ =	swait.ge [sflag:s17], $0x1900  }
0x25: {  	[sflag:s17] =	ssyncset.done $0x0  }
0x26: {  	s29 =	simm.s32 $0xD;
	[sflag:s17] =	ssyncadd.s32 $0xFFFFE700  }
0x27: {  	_ =	swait.ge [sflag:s29], $0x1900  }
0x28: {  	[sflag:s29] =	ssyncset.done $0x0  }
0x29: {  	s5 =	simm.s32 $0xE;
	[sflag:s29] =	ssyncadd.s32 $0xFFFFE700  }
0x2a: {  	_ =	swait.ge [sflag:s5], $0x1900  }
0x2b: {  	[sflag:s5] =	ssyncset.done $0x0  }
0x2c: {  	s16 =	simm.s32 $0xF;
	[sflag:s5] =	ssyncadd.s32 $0xFFFFE700  }
0x2d: {  	_ =	swait.ge [sflag:s16], $0x1900  }
0x2e: {  	[sflag:s16] =	ssyncset.done $0x0  }
0x2f: {  	s17 =	simm.s32 $0x10;
	[sflag:s16] =	ssyncadd.s32 $0xFFFFE700  }
0x30: {  	_ =	swait.ge [sflag:s17], $0x1900  }
0x31: {  	[sflag:s17] =	ssyncset.done $0x0  }
0x32: {  	[sflag:s17] =	ssyncadd.s32 $0xFFFFE700  }
0x33: {  	_ =	swait.ge [sflag:s14], $0x1900  }
0x34: {  	s5 =	rddreg [dreg:$0x5]  }
0x35: {  	s29 =	rddreg [dreg:$0x4];
	s5 =	sadd.s32 $0x1, s5  }
0x36: {  	p0 =	sne.s32 s5, s29  }
.Ltmp1:
0x37: {  	_ = 	snop;
	(pc) =	sbr.rel @!p0 .LBB2_5-.Ltmp1, $3  }
0x38: {  	_ =	sdelay $0x1  }
0x39: {  	[sflag:s14] =	ssyncset.done $0x0  }
0x3a: {  	[sflag:s14] =	ssyncadd.s32 $0xFFFFE700  }
.LBB2_1:
0x3b: {  	[dreg:$0x5] =	wrdreg s5  }
0x3c: {  	s4 =	rddreg [dreg:$0x3];
	s29 =	simm.s32 $0x1  }
0x3d: {  	[tilespmem:s2], [sflag:$0x1] =	stream.linear.gather [hbm4b:s4+s2], $0x6400, $0x38;
	[tilespmem:$0x12C00] =	vst v63  }
0x3e: {  	_ =	swait.ge [sflag:s29], $0x6400  }
0x3f: {  	[sflag:s29] =	ssyncset.done $0x0  }
0x40: {  	s5 =	simm.s32 $0x6400;
	[sflag:s29] =	ssyncadd.s32 $0xFFFF9C00  }
0x41: {  	[tilespmem:s5], [sflag:$0x2] =	stream.indirect.gather [hbm4b:s3+s15], $0x20, s2, s15, $0xb8;
	[tilespmem:$0x12C00] =	vst v63  }
0x42: {  	s16 =	simm.s32 $0x7D00  }
0x43: {  	[tilespmem:s16], [sflag:$0x3] =	stream.indirect.gather [hbm4b:s3+s15], $0x20, s15, s15, $0xb8;
	[tilespmem:$0x12C00] =	vst v63  }
0x44: {  	s17 =	simm.s32 $0x190  }
0x45: {  	[tilespmem:s19], [sflag:$0x4] =	stream.indirect.gather [hbm4b:s3+s15], $0x20, s17, s15, $0xb8;
	[tilespmem:$0x12C00] =	vst v63  }
0x46: {  	s29 =	simm.s32 $0x258  }
0x47: {  	[tilespmem:s21], [sflag:$0x5] =	stream.indirect.gather [hbm4b:s3+s15], $0x20, s29, s15, $0xb8;
	[tilespmem:$0x12C00] =	vst v63  }
0x48: {  	s5 =	simm.s32 $0x320  }
0x49: {  	[tilespmem:s23], [sflag:$0x6] =	stream.indirect.gather [hbm4b:s3+s15], $0x20, s5, s15, $0xb8;
	[tilespmem:$0x12C00] =	vst v63  }
0x4a: {  	s16 =	simm.s32 $0x3E8  }
0x4b: {  	[tilespmem:s25], [sflag:$0x7] =	stream.indirect.gather [hbm4b:s3+s15], $0x20, s16, s15, $0xb8;
	[tilespmem:$0x12C00] =	vst v63  }
0x4c: {  	s17 =	simm.s32 $0x4B0  }
0x4d: {  	[tilespmem:s28], [sflag:$0x8] =	stream.indirect.gather [hbm4b:s3+s15], $0x20, s17, s15, $0xb8;
	[tilespmem:$0x12C00] =	vst v63  }
0x4e: {  	s4 =	simm.s32 $0x0;
	s29 =	simm.s32 $0x578  }
0x4f: {  	[tilespmem:s30], [sflag:$0x9] =	stream.indirect.gather [hbm4b:s3+s15], $0x20, s29, s15, $0xb8;
	[tilespmem:$0x12C00] =	vst v63  }
.LBB2_2:
0x50: {  	_ =	swait.ge [sflag:s31], $0x1900  }
0x51: {  	s5 =	sadd.s32 s4, s13;
	[sflag:s31] =	ssyncset.done $0x0  }
0x52: {  	s16 =	simm.s32 $0x6400;
	p0 =	seq.s32 s4, $0x17700;
	[sflag:s31] =	ssyncadd.s32 $0xFFFFE700  }
0x53: {  	[hbm4b:s5+s2] =	stream.linear.scatter [tilespmem:s16], [sflag:$0xA], $0x1900, $0x38;
	[tilespmem:$0x12C00] =	vst v63  }
0x54: {  	s5 =	simm.s32 @!p0 $0xA  }
0x55: {  	_ =	swait.ge @!p0 [sflag:s5], $0x1900  }
0x56: {  	[sflag:s5] =	ssyncset.done @!p0 $0x0  }
0x57: {  	[sflag:s5] =	ssyncadd.s32 @!p0 $0xFFFFE700;
	s5 =	sshra.s32 @!p0 s4, $0x2  }
0x58: {  	s29 =	simm.s32 @!p0 $0xC8;
	s17 =	simm.s32 @!p0 $0x6400;
	s16 =	sadd.s32 @!p0 $0x640, s5  }
0x59: {  	[tilespmem:s17], [sflag:$0x2] =	stream.indirect.gather @!p0 [hbm4b:s3+s29], $0x20, s16, s29, $0xb8;
	[tilespmem:$0x12C00] =	vst v63  }
0x5a: {  	_ =	swait.ge [sflag:s1], $0x1900  }
0x5b: {  	[sflag:s1] =	ssyncset.done $0x0  }
0x5c: {  	s16 =	sadd.s32 s4, s12;
	s17 =	simm.s32 $0x7D00;
	[sflag:s1] =	ssyncadd.s32 $0xFFFFE700  }
0x5d: {  	[hbm4b:s16+s2] =	stream.linear.scatter [tilespmem:s17], [sflag:$0xB], $0x1900, $0x38;
	[tilespmem:$0x12C00] =	vst v63  }
0x5e: {  	s16 =	simm.s32 @!p0 $0xB  }
0x5f: {  	_ =	swait.ge @!p0 [sflag:s16], $0x1900  }
0x60: {  	[sflag:s16] =	ssyncset.done @!p0 $0x0  }
0x61: {  	s17 =	simm.s32 @!p0 $0x7D00;
	[sflag:s16] =	ssyncadd.s32 @!p0 $0xFFFFE700;
	s16 =	sadd.s32 @!p0 $0x708, s5  }
0x62: {  	[tilespmem:s17], [sflag:$0x3] =	stream.indirect.gather @!p0 [hbm4b:s3+s29], $0x20, s16, s29, $0xb8;
	[tilespmem:$0x12C00] =	vst v63  }
0x63: {  	_ =	swait.ge [sflag:s0], $0x1900  }
0x64: {  	[sflag:s0] =	ssyncset.done $0x0  }
0x65: {  	s17 =	sadd.s32 s4, s11;
	s16 =	simm.s32 @!p0 $0xC;
	[sflag:s0] =	ssyncadd.s32 $0xFFFFE700  }
0x66: {  	[hbm4b:s17+s2] =	stream.linear.scatter [tilespmem:s19], [sflag:$0xC], $0x1900, $0x38;
	[tilespmem:$0x12C00] =	vst v63  }
0x67: {  	_ =	swait.ge @!p0 [sflag:s16], $0x1900  }
0x68: {  	[sflag:s16] =	ssyncset.done @!p0 $0x0  }
0x69: {  	s17 =	simm.s32 @!p0 $0x9600;
	[sflag:s16] =	ssyncadd.s32 @!p0 $0xFFFFE700;
	s16 =	sadd.s32 @!p0 $0x7D0, s5  }
0x6a: {  	[tilespmem:s17], [sflag:$0x4] =	stream.indirect.gather @!p0 [hbm4b:s3+s29], $0x20, s16, s29, $0xb8;
	[tilespmem:$0x12C00] =	vst v63  }
0x6b: {  	_ =	swait.ge [sflag:s18], $0x1900  }
0x6c: {  	[sflag:s18] =	ssyncset.done $0x0  }
0x6d: {  	s17 =	sadd.s32 s4, s10;
	s16 =	simm.s32 @!p0 $0xD;
	[sflag:s18] =	ssyncadd.s32 $0xFFFFE700  }
0x6e: {  	[hbm4b:s17+s2] =	stream.linear.scatter [tilespmem:s21], [sflag:$0xD], $0x1900, $0x38;
	[tilespmem:$0x12C00] =	vst v63  }
0x6f: {  	_ =	swait.ge @!p0 [sflag:s16], $0x1900  }
0x70: {  	[sflag:s16] =	ssyncset.done @!p0 $0x0  }
0x71: {  	s17 =	simm.s32 @!p0 $0xAF00;
	[sflag:s16] =	ssyncadd.s32 @!p0 $0xFFFFE700;
	s16 =	sadd.s32 @!p0 $0x898, s5  }
0x72: {  	[tilespmem:s17], [sflag:$0x5] =	stream.indirect.gather @!p0 [hbm4b:s3+s29], $0x20, s16, s29, $0xb8;
	[tilespmem:$0x12C00] =	vst v63  }
0x73: {  	_ =	swait.ge [sflag:s20], $0x1900  }
0x74: {  	[sflag:s20] =	ssyncset.done $0x0  }
0x75: {  	s17 =	sadd.s32 s4, s9;
	s16 =	simm.s32 @!p0 $0xE;
	[sflag:s20] =	ssyncadd.s32 $0xFFFFE700  }
0x76: {  	[hbm4b:s17+s2] =	stream.linear.scatter [tilespmem:s23], [sflag:$0xE], $0x1900, $0x38;
	[tilespmem:$0x12C00] =	vst v63  }
0x77: {  	_ =	swait.ge @!p0 [sflag:s16], $0x1900  }
0x78: {  	[sflag:s16] =	ssyncset.done @!p0 $0x0  }
0x79: {  	s17 =	simm.s32 @!p0 $0xC800;
	[sflag:s16] =	ssyncadd.s32 @!p0 $0xFFFFE700;
	s16 =	sadd.s32 @!p0 $0x960, s5  }
0x7a: {  	[tilespmem:s17], [sflag:$0x6] =	stream.indirect.gather @!p0 [hbm4b:s3+s29], $0x20, s16, s29, $0xb8;
	[tilespmem:$0x12C00] =	vst v63  }
0x7b: {  	_ =	swait.ge [sflag:s22], $0x1900  }
0x7c: {  	[sflag:s22] =	ssyncset.done $0x0  }
0x7d: {  	s17 =	sadd.s32 s4, s8;
	s16 =	simm.s32 @!p0 $0xF;
	[sflag:s22] =	ssyncadd.s32 $0xFFFFE700  }
0x7e: {  	[hbm4b:s17+s2] =	stream.linear.scatter [tilespmem:s25], [sflag:$0xF], $0x1900, $0x38;
	[tilespmem:$0x12C00] =	vst v63  }
0x7f: {  	_ =	swait.ge @!p0 [sflag:s16], $0x1900  }
0x80: {  	[sflag:s16] =	ssyncset.done @!p0 $0x0  }
0x81: {  	s17 =	simm.s32 @!p0 $0xE100;
	[sflag:s16] =	ssyncadd.s32 @!p0 $0xFFFFE700;
	s16 =	sadd.s32 @!p0 $0xA28, s5  }
0x82: {  	[tilespmem:s17], [sflag:$0x7] =	stream.indirect.gather @!p0 [hbm4b:s3+s29], $0x20, s16, s29, $0xb8;
	[tilespmem:$0x12C00] =	vst v63  }
0x83: {  	_ =	swait.ge [sflag:s24], $0x1900  }
0x84: {  	[sflag:s24] =	ssyncset.done $0x0  }
0x85: {  	s17 =	sadd.s32 s4, s7;
	s16 =	simm.s32 @!p0 $0x10;
	[sflag:s24] =	ssyncadd.s32 $0xFFFFE700  }
0x86: {  	[hbm4b:s17+s2] =	stream.linear.scatter [tilespmem:s28], [sflag:$0x10], $0x1900, $0x38;
	[tilespmem:$0x12C00] =	vst v63  }
0x87: {  	_ =	swait.ge @!p0 [sflag:s16], $0x1900  }
0x88: {  	[sflag:s16] =	ssyncset.done @!p0 $0x0  }
0x89: {  	s5 =	sadd.s32 @!p0 $0xAF0, s5;
	[sflag:s16] =	ssyncadd.s32 @!p0 $0xFFFFE700;
	s16 =	simm.s32 @!p0 $0xFA00  }
0x8a: {  	[tilespmem:s16], [sflag:$0x8] =	stream.indirect.gather @!p0 [hbm4b:s3+s29], $0x20, s5, s29, $0xb8;
	[tilespmem:$0x12C00] =	vst v63  }
.Ltmp2:
0x8b: {  	_ = 	snop;
	(pc) =	sbr.rel @p0 .LBB2_4-.Ltmp2, $4  }
0x8c: {  	_ =	swait.ge [sflag:s26], $0x1900  }
0x8d: {  	[sflag:s26] =	ssyncset.done $0x0  }
0x8e: {  	s29 =	sadd.s32 s4, s6;
	[sflag:s26] =	ssyncadd.s32 $0xFFFFE700  }
0x8f: {  	[hbm4b:s29+s2] =	stream.linear.scatter [tilespmem:s30], [sflag:$0x11], $0x1900, $0x38;
	[tilespmem:$0x12C00] =	vst v63  }
.Ltmp3:
0x90: {  	(pc) =	sbr.rel .LBB2_2-.Ltmp3, $4  }
0x91: {  	_ =	swait.ge [sflag:s14], $0x1900  }
0x92: {  	s5 =	sshra.s32 s4, $0x2;
	[sflag:s14] =	ssyncset.done $0x0  }
0x93: {  	s4 =	sadd.s32 $0x1900, s4;
	s5 =	sadd.s32 $0xBB8, s5;
	[sflag:s14] =	ssyncadd.s32 $0xFFFFE700  }
0x94: {  	[tilespmem:s30], [sflag:$0x9] =	stream.indirect.gather [hbm4b:s3+s15], $0x20, s5, s15, $0xb8;
	[tilespmem:$0x12C00] =	vst v63  }
.LBB2_5:
0x95: {  	_ =	sfence.sel $0x180000  }
0x96: {  	[bflag:$0x0] =	sbarrier.arrive $0xFFFF  }
0x97: {  	_ =	strace $0x90000047  }
0x98: {  	s0 =	stileid.u32;
	[bflag:$0x2] =	sbarrier.arrive $0xFFFF  }
0x99: {  	p0 =	sne.s32 s0, $0x0;
	s0 =	rddreg [dreg:$0x2]  }
0x9a: {  	s0 =	sadd.s32 @!p0 $0x100000, s0  }
0x9b: {  	[sflag:s0] =	ssyncadd.tile.s32 @!p0 $0x1;
	_ =	shalt  }
.Lfunc_end2:
_tile_overlayer_lowered:
.L_overlay_start_2:
0x9c: {  	(tag) =	ssettag $0x2  }
0x9d: {  	s0 =	rddreg [dreg:$0x0];
	s2 =	stileid.u32  }
0x9e: {  	s1 =	rddreg [dreg:$0x1];
	p0 =	sne.s32 s2, $0x0  }
0x9f: {  	s3 =	rddreg [dreg:$0x2];
	[bflag:$0x3] =	sbarrier.arrive $0xFFFF;
	s2 =	simm.s32 @!p0 $0x1C12  }
0xa0: {  	[timem:s3], [sflag:s2] =	dma.local @!p0 [hbm:s0], s1  }
0xa1: {  	s0 =	simm.s32 @!p0 $0x12  }
0xa2: {  	_ =	swait.ge @!p0 [sflag:s0], s1  }
0xa3: {  	s1 =	ssub.s32 @!p0 $0x0, s1;
	[sflag:s0] =	ssyncset.done @!p0 $0x0  }
0xa4: {  	[sflag:s0] =	ssyncadd.s32 @!p0 s1  }
0xa5: {  	[bflag:$0x3] =	sbarrier.arrive $0xFFFF  }
0xa6: {  	_ =	shalt  }

// kernel: sparse-core-data-format-call.cloned.1.call-start
scs
called_computation_lowered:
.L_overlay_start_0:
0x0: {  	s2 =	sld [smem:$0x3FD9]  }
0x1: {  	s3 =	sld [smem:$0x3FFE];
	_ =	sdelay $0x1  }
0x2: {  	s1 =	srdreg.scid  }
0x3: {  	s0 =	sand.u32 $0x1, s1  }
0x4: {  	s18 =	sshll.u32 s0, $0xA;
	s2 =	sadd.s32 s3, s2  }
0x5: {  	s2 =	sadd.s32 s2, s18  }
0x6: {  	[smem:$0x3FC6] =	sst s2  }
0x7: {  	_ = 	snop  }
0x8: {  	s2 =	sld [smem:$0x3FD0];
	(tm) =	ssettm $0x1  }
0x9: {  	s19 =	sld [smem:$0x3FFB];
	_ =	sdelay $0x3  }
0xa: {  	_ =	strace s19  }
0xb: {  	s3 =	sld [smem:$0x3FFC];
	_ =	sdelay $0x3  }
0xc: {  	_ =	strace s3  }
0xd: {  	s3 =	sld [smem:$0x3FFD];
	_ =	sdelay $0x3  }
0xe: {  	_ =	strace s3  }
0xf: {  	_ =	strace $0x8FFFFFFF  }
0x10: {  	s20 =	sld [smem:$0x3FDB];
	_ =	sdelay $0x1  }
0x11: {  	s4 =	simm.s32 $_scs_section_size  }
0x12: {  	s5 =	simm.s32 $_size__tile_overlayer_lowered;
	s6 =	simm.s32 $_tile_overlayer_lowered  }
0x13: {  	s23 =	simm.s32 $0x1BFF;
	s22 =	sshll.u32 s6, $0x1;
	s3 =	sadd.s32 s4, s20  }
0x14: {  	s7 =	simm.s32 $0x0;
	s21 =	sshll.u32 s5, $0x1;
	s5 =	sadd.s32 s22, s3  }
0x15: {  	[timem:s7], [sflag:s23] =	dma.local [hbm:s5], s21  }
0x16: {  	_ =	swait.ge [sflag:s23], s21  }
0x17: {  	s4 =	ssub.s32 $0x0, s21;
	[sflag:s23] =	ssyncset.done $0x0  }
0x18: {  	[sflag:s23] =	ssyncadd.s32 s4;
	_ =	sdelay $0x1  }
0x19: {  	s24 =	simm.s32 $0x1B8B  }
0x1a: {  	_ =	swait.ge [sflag:s24], $0x1  }
0x1b: {  	[sflag:s24] =	ssyncset.done $0x0  }
0x1c: {  	s26 =	simm.s32 $0x1B8E;
	s25 =	sld [smem:$0x3FFE];
	[sflag:s24] =	ssyncadd.s32 $0xFFFFFFFF  }
0x1d: {  	s27 =	simm.s32 $execute0_lowered;
	[smem:$0x3FD2] =	sst s26  }
0x1e: {  	s5 =	sshll.u32 s27, $0x1;
	_ =	strace $0x80000049;
	[dreg:$0x1] =	wrdreg $0xFFFFFFFF  }
0x1f: {  	s28 =	simm.s32 $_size_execute0_lowered;
	s3 =	sadd.s32 s3, s5;
	[dreg:$0x0] =	wrdreg $0x0  }
0x20: {  	s5 =	sshll.u32 s28, $0x1;
	[dreg:$0x2] =	wrdreg s3  }
0x21: {  	[dreg:$0x3] =	wrdreg s5  }
0x22: {  	[dreg:$0x4] =	wrdreg $0xC0  }
0x23: {  	_ =	task [dreg:s7], $0x5FFFF  }
0x24: {  	[dreg:$0x1] =	wrdreg $0xFFFFFFFF  }
0x25: {  	[dreg:$0x0] =	wrdreg $0x60  }
0x26: {  	[dreg:$0x2] =	wrdreg s25  }
0x27: {  	[dreg:$0x3] =	wrdreg s2  }
0x28: {  	[dreg:$0x4] =	wrdreg $0x9  }
0x29: {  	_ =	task.clear_ibuf [dreg:s7], $0x5FFFF;
	_ =	strace $0x90000049  }
0x2a: {  	s29 =	simm.s32 $0x9;
	_ =	strace $0x8000004B  }
0x2b: {  	_ =	swait.ge [sflag:s29], $0x1  }
0x2c: {  	[sflag:s29] =	ssyncadd.s32 $0xFFFFFFFF  }
0x2d: {  	_ =	strace $0x9000004B  }
0x2e: {  	_ =	sfence  }
0x2f: {  	s30 =	sld [smem:$0x0];
	_ =	sdelay $0x2  }
0x30: {  	s31 =	sshll.u32 s1, $0xD;
	s1 =	sshrl.u32 s1, $0x2  }
0x31: {  	s3 =	sand.u32 $0x4000, s31;
	s1 =	sadd.s32 s1, s30  }
0x32: {  	s0 =	sor.u32 s3, s0;
	s1 =	sshll.u32 s1, $0x11  }
0x33: {  	s0 =	sor.u32 s1, s0  }
0x34: {  	s0 =	sadd.s32 $0x8F2B, s0  }
0x35: {  	[sflag:s0] =	ssyncadd.remote.s32 $0x1  }
0x36: {  	_ =	sfence.sel $0xFFFF  }
0x37: {  	[dreg:$0x0] =	wrdreg $0xFFFFFFFF;
	(pc) =	sbr.abs _section_cstart, $3  }
0x38: {  	[dreg:$0x1] =	wrdreg $0xFFFFFFFF  }
0x39: {  	_ =	task.clear_ibuf [dreg:s7], $0x2FFFF;
	_ =	strace $0x9FFFFFFF  }
0x3a: {  	(tm) =	ssettm $0x7FFFFFFF  }
0x3b: {  	_ =	shalt  }
tec
execute0_lowered:
.L_overlay_start_1:
0x0: {  	(tag) =	ssettag $0x1  }
0x1: {  	s0 =	srdreg.scid  }
0x2: {  	s1 =	sshll.u32 s0, $0x4  }
0x3: {  	s0 =	stileid.u32;
	s1 =	sand.u32 $0x10, s1  }
0x4: {  	s1 =	sor.u32 s0, s1  }
0x5: {  	s6 =	rddreg [dreg:$0x0];
	s4 =	simm.s32 $0x1;
	s2 =	sshll.u32 s1, $0x7  }
0x6: {  	s7 =	simm.s32 $0x2;
	s12 =	simm.s32 $0x0;
	s1 =	ssub.s32 $0x1000, s2  }
0x7: {  	s8 =	simm.s32 $0x8000;
	s13 =	simm.s32 $0x0;
	s3 =	sand.u32 $0xF80, s1  }
0x8: {  	s9 =	simm.s32 $0x0;
	s5 =	sshrl.u32 s1, $0xC;
	p0 =	sne.s32 s3, $0x0  }
.Ltmp0:
0x9: {  	s1 =	rddreg [dreg:$0x2];
	s4 =	simm.s32 @!p0 $0x0;
	(pc) =	sbr.rel .LBB1_1-.Ltmp0, $4  }
0xa: {  	s11 =	simm.s32 $0x0;
	s3 =	rddreg [dreg:$0x1];
	s5 =	sadd.s32 s4, s5  }
0xb: {  	_ =	strace $0x8000004A;
	s4 =	simm.s32 $0x1;
	s5 =	smul.u32 $0xC8, s5  }
0xc: {  	s6 =	sadd.s32 $0xA00, s6;
	s10 =	smov.u32 s2;
	[sflag:s4] =	ssyncpa.u1 $0x0  }
0xd: {  	p0 =	por $0x0, $0x0;
	[sflag:s7] =	ssyncpa.u1 $0x0;
	s7 =	sor.u32 $0x1, s5  }
.LBB1_4:
0xe: {  	s16 =	sshll.u32 s13, $0x3;
	s17 =	sand.u32 $0x78, s13  }
0xf: {  	s30 =	sand.u32 $0x3E00, s13;
	s12 =	sshll.u32 s12, $0xE;
	s16 =	sand.u32 $0xC00, s16  }
0x10: {  	s31 =	sand.u32 $0x7, s13;
	s16 =	sor.u32 s17, s16;
	s17 =	sadd.s32 s3, s30  }
0x11: {  	s13 =	sshll.u32 s31, $0x12;
	s16 =	sshrl.u32 s16, $0x3;
	s12 =	sadd.s32 s12, s17  }
0x12: {  	[tilespmem:s15+$0x0 ss:$0x81] =	vst.msk $0xffff, v0;
	s13 =	sor.u32 $0x400, s13;
	s12 =	sadd.s32 s16, s12  }
0x13: {  	[hbm4b:s12+s13] =	stream.strided.scatter [tilespmem:s14], [sflag:$0x2], $0x1000, s8, s13, $0x20;
	[tilespmem:$0x4040] =	vst v63  }
.LBB1_5:
0x14: {  	s14 =	sadd.s32 $0x1, s9  }
0x15: {  	s12 =	sadd.s32 $0x1000, s10;
	s16 =	smov.u32 s10;
	p2 =	sgt.s32 s14, $0xC7  }
0x16: {  	s16 =	smov.u32 @p2 s12  }
0x17: {  	s14 =	simm.s32 @p2 $0x0;
	p2 =	sgt.s32 s16, $0xFFF  }
0x18: {  	s16 =	smov.u32 @p2 s2;
	p2 =	sne.s32 s11, s7  }
.Ltmp1:
0x19: {  	p1 =	slt.u32 s11, $0x2;
	(pc) =	sbr.rel @!p2 .LBB1_6-.Ltmp1, $4  }
0x1a: {  	s15 =	simm.s32 @!p1 $0x2  }
0x1b: {  	s13 =	smov.u32 s10;
	p0 =	por !p0, !p0;
	_ =	swait.ge @!p1 [sflag:s15], $0x1000  }
0x1c: {  	s12 =	smov.u32 s9;
	[sflag:s15] =	ssyncset.done @!p1 $0x0;
	s9 =	smov.u32 s14  }
0x1d: {  	s11 =	sadd.s32 $0x1, s11;
	[sflag:s15] =	ssyncadd.s32 @!p1 $0xFFFFF000;
	s10 =	smov.u32 s16  }
.LBB1_1:
0x1e: {  	p1 =	sge.u32 s11, s5  }
0x1f: {  	s14 =	sand.u32 @!p1 $0x1FFFFFF, s9  }
0x20: {  	s15 =	smulhi.u32 @!p1 $0x147AE15, s14;
	_ =	sdelay $0x1  }
0x21: {  	s15 =	smul.u32 @!p1 $0xC8, s15  }
0x22: {  	s16 =	sxor.u32 @!p1 $0xFFFFFFFF, s11;
	s17 =	smul.u32 @!p1 $0xC80, s10  }
0x23: {  	s31 =	sadd.s32 $0xFFFFFFFF, s11;
	s16 =	sshll.u32 @!p1 s16, $0xC;
	s14 =	ssub.s32 @!p1 s14, s15  }
0x24: {  	s15 =	sand.u32 @!p1 $0x1000, s16;
	s16 =	sadd.s32 @!p1 s6, s17;
	s14 =	sshll.u32 @!p1 s14, $0x4  }
0x25: {  	s17 =	simm.s32 @!p1 $0x6400;
	s14 =	sadd.s32 @!p1 s14, s16;
	s16 =	simm.s32 @!p1 $0x20  }
0x26: {  	[tilespmem:s15], [sflag:$0x1] =	stream.strided.gather @!p1 [hbm4b:s14+s16], $0x1000, s17, s16, $0x38;
	[tilespmem:$0x4040] =	vst v63  }
0x27: {  	p1 =	sge.u32 s31, s5  }
.Ltmp2:
0x28: {  	_ = 	snop;
	(pc) =	sbr.rel @p1 .LBB1_5-.Ltmp2, $1  }
0x29: {  	_ =	sdelay $0x3  }
0x2a: {  	s14 =	simm.s32 $0x1  }
0x2b: {  	_ =	swait.ge [sflag:s4], $0x1000;
	s14 =	simm.s32 @!p0 $0x0  }
0x2c: {  	[sflag:s4] =	ssyncset.done $0x0;
	s15 =	sshll.u32 s14, $0xC  }
0x2d: {  	[sflag:s4] =	ssyncadd.s32 $0xFFFFF000;
	s18 =	sor.u32 $0x10, s15  }
0x2e: {  	s14 =	smul.u32 $0x4080, s14;
	v1 =	vld [tilespmem:s18+$0x0]  }
0x2f: {  	s30 =	sand.u32 $0x1, s11;
	v0 =	vld [tilespmem:s18+$0xFFFFFFF0]  }
0x30: {  	s15 =	smul.u32 $0x4080, s30;
	s14 =	sshrl.u32 s14, $0x2  }
0x31: {  	s16 =	sor.u32 $0x2000, s14  }
0x32: {  	s31 =	sshrl.u32 s15, $0x2;
	s15 =	sadd.s32 $0x0, s16  }
0x33: {  	s17 =	simm.s32 $0x4;
	s18 =	sadd.s32 $0x20, s18;
	s14 =	sor.u32 $0x2000, s31;
	[tilespmem:s15+$0x810 ss:$0x81] =	vst.msk $0xffff, v1  }
.LBB1_3:
0x34: {  	v1 =	vld [tilespmem:s18+$0x0];
	p1 =	sne.s32 s17, $0x1FC;
	[tilespmem:s15+$0x0 ss:$0x81] =	vst.msk $0xffff, v0;
	s15 =	smov.u32 s17;
	s17 =	sadd.s32 $0x4, s17  }
.Ltmp3:
0x35: {  	v0 =	vld [tilespmem:s18+$0xFFFFFFF0];
	(pc) =	sbr.rel @p1 .LBB1_3-.Ltmp3, $4  }
0x36: {  	_ = 	snop  }
0x37: {  	s15 =	sshra.s32 s15, $0x2  }
0x38: {  	s15 =	sadd.s32 s15, s16  }
0x39: {  	s18 =	sadd.s32 $0x20, s18;
	[tilespmem:s15+$0x810 ss:$0x81] =	vst.msk $0xffff, v1  }
.Ltmp4:
0x3a: {  	_ = 	snop;
	(pc) =	sbr.rel .LBB1_4-.Ltmp4, $1  }
0x3b: {  	_ =	sdelay $0x3  }
.LBB1_6:
0x3c: {  	_ =	sfence.sel $0x180000  }
0x3d: {  	s2 =	simm.s32 $0x1;
	[bflag:$0x0] =	sbarrier.arrive $0xFFFF  }
0x3e: {  	s31 =	simm.s32 $0x2;
	[sflag:s2] =	ssyncpa.u1 $0x1  }
0x3f: {  	[sflag:s31] =	ssyncpa.u1 $0x1  }
0x40: {  	p0 =	sne.s32 s0, $0x0;
	_ =	strace $0x9000004A  }
0x41: {  	s0 =	sadd.s32 @!p0 $0x100000, s1;
	[bflag:$0x2] =	sbarrier.arrive $0xFFFF  }
0x42: {  	[sflag:s0] =	ssyncadd.tile.s32 @!p0 $0x1;
	_ =	shalt  }
.Lfunc_end1:
_tile_overlayer_lowered:
.L_overlay_start_2:
0x43: {  	(tag) =	ssettag $0x2  }
0x44: {  	s0 =	rddreg [dreg:$0x0];
	s2 =	stileid.u32  }
0x45: {  	s1 =	rddreg [dreg:$0x1];
	p0 =	sne.s32 s2, $0x0  }
0x46: {  	s3 =	rddreg [dreg:$0x2];
	[bflag:$0x3] =	sbarrier.arrive $0xFFFF;
	s2 =	simm.s32 @!p0 $0x1C01  }
0x47: {  	[timem:s3], [sflag:s2] =	dma.local @!p0 [hbm:s0], s1  }
0x48: {  	s0 =	simm.s32 @!p0 $0x1  }
0x49: {  	_ =	swait.ge @!p0 [sflag:s0], s1  }
0x4a: {  	s1 =	ssub.s32 @!p0 $0x0, s1;
	[sflag:s0] =	ssyncset.done @!p0 $0x0  }
0x4b: {  	[sflag:s0] =	ssyncadd.s32 @!p0 s1  }
0x4c: {  	[bflag:$0x3] =	sbarrier.arrive $0xFFFF  }
0x4d: {  	_ =	shalt  }

</sc_bundles>
